<compile_context>
chip_gen: v7x
topology: tpu7x:2x2x1
jax: 0.10.2.dev20260603
libtpu: 0.0.44.dev20260713+nightly
codegen_flags: <defaults>
</compile_context>

<pallas_src>
import functools

import jax
import jax.numpy as jnp
from jax import lax
from jax.experimental import pallas as pl
from jax.experimental.pallas import tpu as pltpu
from jax.experimental.pallas import tpu_sc as plsc

ALPHA = 0.3
BETA = 0.7
LAMBDA_ELR = 3.0
EPS = 1e-06

NC, NS, L = 2, 16, 16
NW = NC * NS
CH = 128


def _sc_ema_update(logits, targets_ema, indices):
    B = logits.shape[0]
    N = targets_ema.shape[0]
    b_per_w = B // NW
    n_ch = b_per_w // CH

    mesh = plsc.VectorSubcoreMesh(core_axis_name="c", subcore_axis_name="s")

    @functools.partial(
        pl.kernel,
        out_type=jax.ShapeDtypeStruct((B,), jnp.float32),
        mesh=mesh,
        scratch_types=[
            pltpu.VMEM((b_per_w,), jnp.int32),
            pltpu.VMEM((b_per_w,), jnp.float32),
            pltpu.VMEM((b_per_w,), jnp.float32),
            pltpu.VMEM((b_per_w,), jnp.float32),
            pltpu.VMEM_SHARED((N,), jnp.float32),
            pltpu.SemaphoreType.DMA,
            pltpu.SemaphoreType.DMA,
        ],
    )
    def k(logits_hbm, idx_hbm, tema_hbm, er_hbm,
          idx_v, l_v, nv_v, er_v, s_spmem, sem, lsem):
        wid = lax.axis_index("s") * NC + lax.axis_index("c")
        base = wid * b_per_w
        i_cp = pltpu.async_copy(idx_hbm.at[pl.ds(base, b_per_w)], idx_v, sem)
        l_cp = pltpu.async_copy(logits_hbm.at[pl.ds(base, b_per_w)], l_v, lsem)
        l_cp.wait()
        for i in range(b_per_w // L):
            sl = pl.ds(i * L, L)
            x = l_v[sl]
            nv_v[sl] = (1.0 - BETA) / (1.0 + jnp.exp(-x))
        i_cp.wait()
        pltpu.async_copy(nv_v, s_spmem.at[idx_v], sem).wait()
        plsc.subcore_barrier()
        pltpu.async_copy(s_spmem.at[idx_v], er_v, sem).wait()
        pltpu.async_copy(er_v, er_hbm.at[pl.ds(base, b_per_w)], lsem).wait()

    ema_read = k(logits, indices, targets_ema)
    return ema_read


def _tc_loss(logits, targets, ema_read):
    B = logits.shape[0]

    def body(l_ref, t_ref, e_ref, o_ref):
        x = l_ref[...]
        t = t_ref[...]
        e = e_ref[...]
        p = 1.0 / (1.0 + jnp.exp(-x))
        mixed = (1.0 - ALPHA) * t + ALPHA * e
        bce = jnp.maximum(x, 0.0) - x * mixed + jnp.log1p(jnp.exp(-jnp.abs(x)))
        elr = -jnp.log(1.0 - p * e + EPS)
        o_ref[0, 0] = jnp.sum(bce + LAMBDA_ELR * elr) / B

    out = pl.pallas_call(
        body,
        out_shape=jax.ShapeDtypeStruct((1, 1), jnp.float32),
        in_specs=[pl.BlockSpec(memory_space=pltpu.VMEM)] * 3,
        out_specs=pl.BlockSpec(memory_space=pltpu.SMEM),
    )(logits.reshape(128, -1), targets.reshape(128, -1),
      ema_read.reshape(128, -1))
    return out.reshape(())


def kernel(logits, targets, targets_ema, indices):
    idx = indices.astype(jnp.int32)
    ema_read = _sc_ema_update(logits, targets_ema, idx)
    return ema_read[0]

# --- scband reference (transcript-rebuilt; emitter-appended) ---
"""Pipeline reference for scband-elrbceloss-15951508537904 (READ-ONLY COPY).

The authoritative reference and input builder live on the scoring server;
editing this copy changes nothing except your own understanding.
"""

import jax, jax.numpy as jnp
import numpy as np

ALPHA = 0.3
BETA = 0.7
LAMBDA_ELR = 3.0
NUM_SAMPLES = 1000000
B = 16384
EPS = 1e-06


def setup_inputs(seed: int = 0) -> dict:
    key = jax.random.key(seed)
    k1, k2, k3 = jax.random.split(key, 3)
    logits = jax.random.normal(k1, (B,), dtype=jnp.float32)
    targets = jax.random.uniform(k2, (B,), dtype=jnp.float32)
    # EMA memory buffer, initialized to zeros as in init_memory(num_samples)
    targets_ema = jnp.zeros((NUM_SAMPLES,), dtype=jnp.float32)
    indices = jax.random.randint(k3, (B,), 0, NUM_SAMPLES, dtype=jnp.int64)
    return {"logits": logits, "targets": targets, "targets_ema": targets_ema, "indices": indices}


def reference(logits, targets, targets_ema, indices):
    # probs = sigmoid(logits)
    probs = jax.nn.sigmoid(logits)
    # EMA update under no_grad: targets_ema[indices] = beta * targets_ema[indices] + (1 - beta) * probs
    new_vals = jax.lax.stop_gradient(BETA * targets_ema[indices] + (1.0 - BETA) * probs)
    ema_updated = targets_ema.at[indices].set(new_vals)
    # read back the (updated) EMA values at the batch indices
    ema_read = ema_updated[indices]
    # mixed_targets = (1 - alpha) * targets + alpha * targets_ema[indices]
    mixed_targets = (1.0 - ALPHA) * targets + ALPHA * ema_read
    # BCEWithLogitsLoss(reduction='none'), numerically stable form:
    # max(x, 0) - x*z + log(1 + exp(-|x|))
    bce_loss = jnp.maximum(logits, 0.0) - logits * mixed_targets + jnp.log1p(jnp.exp(-jnp.abs(logits)))
    # ELR regularizer: -log(1 - probs * ema + 1e-6)
    elr_reg = -jnp.log(1.0 - probs * ema_read + EPS)
    loss = jnp.mean(bce_loss + LAMBDA_ELR * elr_reg)
    return loss

if __name__ == "__main__":
    import jax
    _d = setup_inputs()
    print(jax.jit(kernel)(*tuple(_d.values())))

</pallas_src>

<mosaic_0001>
#map = affine_map<(d0, d1) -> (0)>
module attributes {stable_mosaic.version = 14 : i64} {
  func.func @k(%arg0: i32, %arg1: i32, %arg2: memref<16384xf32, #tpu.memory_space<hbm>>, %arg3: memref<16384xi32, #tpu.memory_space<hbm>>, %arg4: memref<1000000xf32, #tpu.memory_space<hbm>>, %arg5: memref<16384xf32, #tpu.memory_space<hbm>>, %arg6: memref<512xi32, #tpu.memory_space<vmem>>, %arg7: memref<512xf32, #tpu.memory_space<vmem>>, %arg8: memref<512xf32, #tpu.memory_space<vmem>>, %arg9: memref<512xf32, #tpu.memory_space<vmem>>, %arg10: memref<1000000xf32, #tpu.memory_space<vmem_shared>>, %arg11: memref<!tpu.dma_semaphore, #tpu.memory_space<semaphore_mem>>, %arg12: memref<!tpu.dma_semaphore, #tpu.memory_space<semaphore_mem>>) attributes {dimension_semantics = [#tpu.dimension_semantics<core_parallel>, #tpu.dimension_semantics<subcore_parallel>], iteration_bounds = array<i64: 2, 16>, scalar_prefetch = 0 : i64, scratch_operands = 7 : i64, tpu.core_type = #tpu.core_type<sc_vector_subcore>, window_params = [{transform_indices = #map}, {transform_indices = #map}, {transform_indices = #map}, {transform_indices = #map}]} {
    %mul3A = arith.constant 2 : i32
    %mul3A_0 = arith.muli %arg1, %mul3A : i32
    %add3A = arith.addi %mul3A_0, %arg0 : i32
    %mul3A_1 = arith.constant 512 : i32
    %mul3A_2 = arith.muli %add3A, %mul3A_1 : i32
    %dma_start3A = tpu.memref_slice %arg3[%mul3A_2] : memref<16384xi32, #tpu.memory_space<hbm>> -> memref<512xi32, #tpu.memory_space<hbm>>
    %dma_start3A_3 = tpu.memref_slice %arg3[%mul3A_2] : memref<16384xi32, #tpu.memory_space<hbm>> -> memref<512xi32, #tpu.memory_space<hbm>>
    tpu.enqueue_dma source(%dma_start3A_3 : memref<512xi32, #tpu.memory_space<hbm>>) target(%arg6 : memref<512xi32, #tpu.memory_space<vmem>>) target_semaphore(%arg11 : memref<!tpu.dma_semaphore, #tpu.memory_space<semaphore_mem>>)
    %dma_start3A_4 = tpu.memref_slice %arg2[%mul3A_2] : memref<16384xf32, #tpu.memory_space<hbm>> -> memref<512xf32, #tpu.memory_space<hbm>>
    %dma_start3A_5 = tpu.memref_slice %arg2[%mul3A_2] : memref<16384xf32, #tpu.memory_space<hbm>> -> memref<512xf32, #tpu.memory_space<hbm>>
    tpu.enqueue_dma source(%dma_start3A_5 : memref<512xf32, #tpu.memory_space<hbm>>) target(%arg7 : memref<512xf32, #tpu.memory_space<vmem>>) target_semaphore(%arg12 : memref<!tpu.dma_semaphore, #tpu.memory_space<semaphore_mem>>)
    %dma_wait3A = tpu.memref_slice %arg2[%mul3A_2] : memref<16384xf32, #tpu.memory_space<hbm>> -> memref<512xf32, #tpu.memory_space<hbm>>
    %dma_wait3A_6 = tpu.memref_slice %arg2[%mul3A_2] : memref<16384xf32, #tpu.memory_space<hbm>> -> memref<512xf32, #tpu.memory_space<hbm>>
    tpu.wait_dma2 semaphore(%arg12 : memref<!tpu.dma_semaphore, #tpu.memory_space<semaphore_mem>>) src(%dma_wait3A_6 : memref<512xf32, #tpu.memory_space<hbm>>) dst(%arg7 : memref<512xf32, #tpu.memory_space<vmem>>)
    %get3A = arith.constant 0 : index
    %get3A_7 = tpu.vector_load %arg7[%get3A] {strides = array<i32>} : memref<512xf32, #tpu.memory_space<vmem>>, vector<16xf32>,
    %get3A_8 = vector.shape_cast %get3A_7 : vector<16xf32> to vector<16xf32>
    %neg3A = arith.constant 0.000000e+00 : f32
    %neg3A_9 = vector.broadcast %neg3A : f32 to vector<16xf32>
    %neg3A_10 = arith.subf %neg3A_9, %get3A_8 : vector<16xf32>
    %exp3A = math.exp %neg3A_10 : vector<16xf32>
    %add3A_11 = arith.constant 1.000000e+00 : f32
    %add3A_12 = vector.broadcast %add3A_11 : f32 to vector<16xf32>
    %add3A_13 = arith.addf %add3A_12, %exp3A : vector<16xf32>
    %div3A = arith.constant 3.000000e-01 : f32
    %div3A_14 = vector.broadcast %div3A : f32 to vector<16xf32>
    %div3A_15 = arith.divf %div3A_14, %add3A_13 : vector<16xf32>
    %swap3A = arith.constant 0 : index
    %swap3A_16 = tpu.vector_load %arg8[%swap3A] {strides = array<i32>} : memref<512xf32, #tpu.memory_space<vmem>>, vector<16xf32>,
    %swap3A_17 = vector.shape_cast %swap3A_16 : vector<16xf32> to vector<16xf32>
    %swap3A_18 = vector.shape_cast %div3A_15 : vector<16xf32> to vector<16xf32>
    tpu.vector_store %arg8[%swap3A], %swap3A_18 {strides = array<i32>} : memref<512xf32, #tpu.memory_space<vmem>>, vector<16xf32>,
    %get3A_19 = arith.constant 16 : index
    %get3A_20 = tpu.vector_load %arg7[%get3A_19] {strides = array<i32>} : memref<512xf32, #tpu.memory_space<vmem>>, vector<16xf32>,
    %get3A_21 = vector.shape_cast %get3A_20 : vector<16xf32> to vector<16xf32>
    %neg3A_22 = arith.constant 0.000000e+00 : f32
    %neg3A_23 = vector.broadcast %neg3A_22 : f32 to vector<16xf32>
    %neg3A_24 = arith.subf %neg3A_23, %get3A_21 : vector<16xf32>
    %exp3A_25 = math.exp %neg3A_24 : vector<16xf32>
    %add3A_26 = arith.constant 1.000000e+00 : f32
    %add3A_27 = vector.broadcast %add3A_26 : f32 to vector<16xf32>
    %add3A_28 = arith.addf %add3A_27, %exp3A_25 : vector<16xf32>
    %div3A_29 = arith.constant 3.000000e-01 : f32
    %div3A_30 = vector.broadcast %div3A_29 : f32 to vector<16xf32>
    %div3A_31 = arith.divf %div3A_30, %add3A_28 : vector<16xf32>
    %swap3A_32 = arith.constant 16 : index
    %swap3A_33 = tpu.vector_load %arg8[%swap3A_32] {strides = array<i32>} : memref<512xf32, #tpu.memory_space<vmem>>, vector<16xf32>,
    %swap3A_34 = vector.shape_cast %swap3A_33 : vector<16xf32> to vector<16xf32>
    %swap3A_35 = vector.shape_cast %div3A_31 : vector<16xf32> to vector<16xf32>
    tpu.vector_store %arg8[%swap3A_32], %swap3A_35 {strides = array<i32>} : memref<512xf32, #tpu.memory_space<vmem>>, vector<16xf32>,
    %get3A_36 = arith.constant 32 : index
    %get3A_37 = tpu.vector_load %arg7[%get3A_36] {strides = array<i32>} : memref<512xf32, #tpu.memory_space<vmem>>, vector<16xf32>,
    %get3A_38 = vector.shape_cast %get3A_37 : vector<16xf32> to vector<16xf32>
    %neg3A_39 = arith.constant 0.000000e+00 : f32
    %neg3A_40 = vector.broadcast %neg3A_39 : f32 to vector<16xf32>
    %neg3A_41 = arith.subf %neg3A_40, %get3A_38 : vector<16xf32>
    %exp3A_42 = math.exp %neg3A_41 : vector<16xf32>
    %add3A_43 = arith.constant 1.000000e+00 : f32
    %add3A_44 = vector.broadcast %add3A_43 : f32 to vector<16xf32>
    %add3A_45 = arith.addf %add3A_44, %exp3A_42 : vector<16xf32>
    %div3A_46 = arith.constant 3.000000e-01 : f32
    %div3A_47 = vector.broadcast %div3A_46 : f32 to vector<16xf32>
    %div3A_48 = arith.divf %div3A_47, %add3A_45 : vector<16xf32>
    %swap3A_49 = arith.constant 32 : index
    %swap3A_50 = tpu.vector_load %arg8[%swap3A_49] {strides = array<i32>} : memref<512xf32, #tpu.memory_space<vmem>>, vector<16xf32>,
    %swap3A_51 = vector.shape_cast %swap3A_50 : vector<16xf32> to vector<16xf32>
    %swap3A_52 = vector.shape_cast %div3A_48 : vector<16xf32> to vector<16xf32>
    tpu.vector_store %arg8[%swap3A_49], %swap3A_52 {strides = array<i32>} : memref<512xf32, #tpu.memory_space<vmem>>, vector<16xf32>,
    %get3A_53 = arith.constant 48 : index
    %get3A_54 = tpu.vector_load %arg7[%get3A_53] {strides = array<i32>} : memref<512xf32, #tpu.memory_space<vmem>>, vector<16xf32>,
    %get3A_55 = vector.shape_cast %get3A_54 : vector<16xf32> to vector<16xf32>
    %neg3A_56 = arith.constant 0.000000e+00 : f32
    %neg3A_57 = vector.broadcast %neg3A_56 : f32 to vector<16xf32>
    %neg3A_58 = arith.subf %neg3A_57, %get3A_55 : vector<16xf32>
    %exp3A_59 = math.exp %neg3A_58 : vector<16xf32>
    %add3A_60 = arith.constant 1.000000e+00 : f32
    %add3A_61 = vector.broadcast %add3A_60 : f32 to vector<16xf32>
    %add3A_62 = arith.addf %add3A_61, %exp3A_59 : vector<16xf32>
    %div3A_63 = arith.constant 3.000000e-01 : f32
    %div3A_64 = vector.broadcast %div3A_63 : f32 to vector<16xf32>
    %div3A_65 = arith.divf %div3A_64, %add3A_62 : vector<16xf32>
    %swap3A_66 = arith.constant 48 : index
    %swap3A_67 = tpu.vector_load %arg8[%swap3A_66] {strides = array<i32>} : memref<512xf32, #tpu.memory_space<vmem>>, vector<16xf32>,
    %swap3A_68 = vector.shape_cast %swap3A_67 : vector<16xf32> to vector<16xf32>
    %swap3A_69 = vector.shape_cast %div3A_65 : vector<16xf32> to vector<16xf32>
    tpu.vector_store %arg8[%swap3A_66], %swap3A_69 {strides = array<i32>} : memref<512xf32, #tpu.memory_space<vmem>>, vector<16xf32>,
    %get3A_70 = arith.constant 64 : index
    %get3A_71 = tpu.vector_load %arg7[%get3A_70] {strides = array<i32>} : memref<512xf32, #tpu.memory_space<vmem>>, vector<16xf32>,
    %get3A_72 = vector.shape_cast %get3A_71 : vector<16xf32> to vector<16xf32>
    %neg3A_73 = arith.constant 0.000000e+00 : f32
    %neg3A_74 = vector.broadcast %neg3A_73 : f32 to vector<16xf32>
    %neg3A_75 = arith.subf %neg3A_74, %get3A_72 : vector<16xf32>
    %exp3A_76 = math.exp %neg3A_75 : vector<16xf32>
    %add3A_77 = arith.constant 1.000000e+00 : f32
    %add3A_78 = vector.broadcast %add3A_77 : f32 to vector<16xf32>
    %add3A_79 = arith.addf %add3A_78, %exp3A_76 : vector<16xf32>
    %div3A_80 = arith.constant 3.000000e-01 : f32
    %div3A_81 = vector.broadcast %div3A_80 : f32 to vector<16xf32>
    %div3A_82 = arith.divf %div3A_81, %add3A_79 : vector<16xf32>
    %swap3A_83 = arith.constant 64 : index
    %swap3A_84 = tpu.vector_load %arg8[%swap3A_83] {strides = array<i32>} : memref<512xf32, #tpu.memory_space<vmem>>, vector<16xf32>,
    %swap3A_85 = vector.shape_cast %swap3A_84 : vector<16xf32> to vector<16xf32>
    %swap3A_86 = vector.shape_cast %div3A_82 : vector<16xf32> to vector<16xf32>
    tpu.vector_store %arg8[%swap3A_83], %swap3A_86 {strides = array<i32>} : memref<512xf32, #tpu.memory_space<vmem>>, vector<16xf32>,
    %get3A_87 = arith.constant 80 : index
    %get3A_88 = tpu.vector_load %arg7[%get3A_87] {strides = array<i32>} : memref<512xf32, #tpu.memory_space<vmem>>, vector<16xf32>,
    %get3A_89 = vector.shape_cast %get3A_88 : vector<16xf32> to vector<16xf32>
    %neg3A_90 = arith.constant 0.000000e+00 : f32
    %neg3A_91 = vector.broadcast %neg3A_90 : f32 to vector<16xf32>
    %neg3A_92 = arith.subf %neg3A_91, %get3A_89 : vector<16xf32>
    %exp3A_93 = math.exp %neg3A_92 : vector<16xf32>
    %add3A_94 = arith.constant 1.000000e+00 : f32
    %add3A_95 = vector.broadcast %add3A_94 : f32 to vector<16xf32>
    %add3A_96 = arith.addf %add3A_95, %exp3A_93 : vector<16xf32>
    %div3A_97 = arith.constant 3.000000e-01 : f32
    %div3A_98 = vector.broadcast %div3A_97 : f32 to vector<16xf32>
    %div3A_99 = arith.divf %div3A_98, %add3A_96 : vector<16xf32>
    %swap3A_100 = arith.constant 80 : index
    %swap3A_101 = tpu.vector_load %arg8[%swap3A_100] {strides = array<i32>} : memref<512xf32, #tpu.memory_space<vmem>>, vector<16xf32>,
    %swap3A_102 = vector.shape_cast %swap3A_101 : vector<16xf32> to vector<16xf32>
    %swap3A_103 = vector.shape_cast %div3A_99 : vector<16xf32> to vector<16xf32>
    tpu.vector_store %arg8[%swap3A_100], %swap3A_103 {strides = array<i32>} : memref<512xf32, #tpu.memory_space<vmem>>, vector<16xf32>,
    %get3A_104 = arith.constant 96 : index
    %get3A_105 = tpu.vector_load %arg7[%get3A_104] {strides = array<i32>} : memref<512xf32, #tpu.memory_space<vmem>>, vector<16xf32>,
    %get3A_106 = vector.shape_cast %get3A_105 : vector<16xf32> to vector<16xf32>
    %neg3A_107 = arith.constant 0.000000e+00 : f32
    %neg3A_108 = vector.broadcast %neg3A_107 : f32 to vector<16xf32>
    %neg3A_109 = arith.subf %neg3A_108, %get3A_106 : vector<16xf32>
    %exp3A_110 = math.exp %neg3A_109 : vector<16xf32>
    %add3A_111 = arith.constant 1.000000e+00 : f32
    %add3A_112 = vector.broadcast %add3A_111 : f32 to vector<16xf32>
    %add3A_113 = arith.addf %add3A_112, %exp3A_110 : vector<16xf32>
    %div3A_114 = arith.constant 3.000000e-01 : f32
    %div3A_115 = vector.broadcast %div3A_114 : f32 to vector<16xf32>
    %div3A_116 = arith.divf %div3A_115, %add3A_113 : vector<16xf32>
    %swap3A_117 = arith.constant 96 : index
    %swap3A_118 = tpu.vector_load %arg8[%swap3A_117] {strides = array<i32>} : memref<512xf32, #tpu.memory_space<vmem>>, vector<16xf32>,
    %swap3A_119 = vector.shape_cast %swap3A_118 : vector<16xf32> to vector<16xf32>
    %swap3A_120 = vector.shape_cast %div3A_116 : vector<16xf32> to vector<16xf32>
    tpu.vector_store %arg8[%swap3A_117], %swap3A_120 {strides = array<i32>} : memref<512xf32, #tpu.memory_space<vmem>>, vector<16xf32>,
    %get3A_121 = arith.constant 112 : index
    %get3A_122 = tpu.vector_load %arg7[%get3A_121] {strides = array<i32>} : memref<512xf32, #tpu.memory_space<vmem>>, vector<16xf32>,
    %get3A_123 = vector.shape_cast %get3A_122 : vector<16xf32> to vector<16xf32>
    %neg3A_124 = arith.constant 0.000000e+00 : f32
    %neg3A_125 = vector.broadcast %neg3A_124 : f32 to vector<16xf32>
    %neg3A_126 = arith.subf %neg3A_125, %get3A_123 : vector<16xf32>
    %exp3A_127 = math.exp %neg3A_126 : vector<16xf32>
    %add3A_128 = arith.constant 1.000000e+00 : f32
    %add3A_129 = vector.broadcast %add3A_128 : f32 to vector<16xf32>
    %add3A_130 = arith.addf %add3A_129, %exp3A_127 : vector<16xf32>
    %div3A_131 = arith.constant 3.000000e-01 : f32
    %div3A_132 = vector.broadcast %div3A_131 : f32 to vector<16xf32>
    %div3A_133 = arith.divf %div3A_132, %add3A_130 : vector<16xf32>
    %swap3A_134 = arith.constant 112 : index
    %swap3A_135 = tpu.vector_load %arg8[%swap3A_134] {strides = array<i32>} : memref<512xf32, #tpu.memory_space<vmem>>, vector<16xf32>,
    %swap3A_136 = vector.shape_cast %swap3A_135 : vector<16xf32> to vector<16xf32>
    %swap3A_137 = vector.shape_cast %div3A_133 : vector<16xf32> to vector<16xf32>
    tpu.vector_store %arg8[%swap3A_134], %swap3A_137 {strides = array<i32>} : memref<512xf32, #tpu.memory_space<vmem>>, vector<16xf32>,
    %get3A_138 = arith.constant 128 : index
    %get3A_139 = tpu.vector_load %arg7[%get3A_138] {strides = array<i32>} : memref<512xf32, #tpu.memory_space<vmem>>, vector<16xf32>,
    %get3A_140 = vector.shape_cast %get3A_139 : vector<16xf32> to vector<16xf32>
    %neg3A_141 = arith.constant 0.000000e+00 : f32
    %neg3A_142 = vector.broadcast %neg3A_141 : f32 to vector<16xf32>
    %neg3A_143 = arith.subf %neg3A_142, %get3A_140 : vector<16xf32>
    %exp3A_144 = math.exp %neg3A_143 : vector<16xf32>
    %add3A_145 = arith.constant 1.000000e+00 : f32
    %add3A_146 = vector.broadcast %add3A_145 : f32 to vector<16xf32>
    %add3A_147 = arith.addf %add3A_146, %exp3A_144 : vector<16xf32>
    %div3A_148 = arith.constant 3.000000e-01 : f32
    %div3A_149 = vector.broadcast %div3A_148 : f32 to vector<16xf32>
    %div3A_150 = arith.divf %div3A_149, %add3A_147 : vector<16xf32>
    %swap3A_151 = arith.constant 128 : index
    %swap3A_152 = tpu.vector_load %arg8[%swap3A_151] {strides = array<i32>} : memref<512xf32, #tpu.memory_space<vmem>>, vector<16xf32>,
    %swap3A_153 = vector.shape_cast %swap3A_152 : vector<16xf32> to vector<16xf32>
    %swap3A_154 = vector.shape_cast %div3A_150 : vector<16xf32> to vector<16xf32>
    tpu.vector_store %arg8[%swap3A_151], %swap3A_154 {strides = array<i32>} : memref<512xf32, #tpu.memory_space<vmem>>, vector<16xf32>,
    %get3A_155 = arith.constant 144 : index
    %get3A_156 = tpu.vector_load %arg7[%get3A_155] {strides = array<i32>} : memref<512xf32, #tpu.memory_space<vmem>>, vector<16xf32>,
    %get3A_157 = vector.shape_cast %get3A_156 : vector<16xf32> to vector<16xf32>
    %neg3A_158 = arith.constant 0.000000e+00 : f32
    %neg3A_159 = vector.broadcast %neg3A_158 : f32 to vector<16xf32>
    %neg3A_160 = arith.subf %neg3A_159, %get3A_157 : vector<16xf32>
    %exp3A_161 = math.exp %neg3A_160 : vector<16xf32>
    %add3A_162 = arith.constant 1.000000e+00 : f32
    %add3A_163 = vector.broadcast %add3A_162 : f32 to vector<16xf32>
    %add3A_164 = arith.addf %add3A_163, %exp3A_161 : vector<16xf32>
    %div3A_165 = arith.constant 3.000000e-01 : f32
    %div3A_166 = vector.broadcast %div3A_165 : f32 to vector<16xf32>
    %div3A_167 = arith.divf %div3A_166, %add3A_164 : vector<16xf32>
    %swap3A_168 = arith.constant 144 : index
    %swap3A_169 = tpu.vector_load %arg8[%swap3A_168] {strides = array<i32>} : memref<512xf32, #tpu.memory_space<vmem>>, vector<16xf32>,
    %swap3A_170 = vector.shape_cast %swap3A_169 : vector<16xf32> to vector<16xf32>
    %swap3A_171 = vector.shape_cast %div3A_167 : vector<16xf32> to vector<16xf32>
    tpu.vector_store %arg8[%swap3A_168], %swap3A_171 {strides = array<i32>} : memref<512xf32, #tpu.memory_space<vmem>>, vector<16xf32>,
    %get3A_172 = arith.constant 160 : index
    %get3A_173 = tpu.vector_load %arg7[%get3A_172] {strides = array<i32>} : memref<512xf32, #tpu.memory_space<vmem>>, vector<16xf32>,
    %get3A_174 = vector.shape_cast %get3A_173 : vector<16xf32> to vector<16xf32>
    %neg3A_175 = arith.constant 0.000000e+00 : f32
    %neg3A_176 = vector.broadcast %neg3A_175 : f32 to vector<16xf32>
    %neg3A_177 = arith.subf %neg3A_176, %get3A_174 : vector<16xf32>
    %exp3A_178 = math.exp %neg3A_177 : vector<16xf32>
    %add3A_179 = arith.constant 1.000000e+00 : f32
    %add3A_180 = vector.broadcast %add3A_179 : f32 to vector<16xf32>
    %add3A_181 = arith.addf %add3A_180, %exp3A_178 : vector<16xf32>
    %div3A_182 = arith.constant 3.000000e-01 : f32
    %div3A_183 = vector.broadcast %div3A_182 : f32 to vector<16xf32>
    %div3A_184 = arith.divf %div3A_183, %add3A_181 : vector<16xf32>
    %swap3A_185 = arith.constant 160 : index
    %swap3A_186 = tpu.vector_load %arg8[%swap3A_185] {strides = array<i32>} : memref<512xf32, #tpu.memory_space<vmem>>, vector<16xf32>,
    %swap3A_187 = vector.shape_cast %swap3A_186 : vector<16xf32> to vector<16xf32>
    %swap3A_188 = vector.shape_cast %div3A_184 : vector<16xf32> to vector<16xf32>
    tpu.vector_store %arg8[%swap3A_185], %swap3A_188 {strides = array<i32>} : memref<512xf32, #tpu.memory_space<vmem>>, vector<16xf32>,
    %get3A_189 = arith.constant 176 : index
    %get3A_190 = tpu.vector_load %arg7[%get3A_189] {strides = array<i32>} : memref<512xf32, #tpu.memory_space<vmem>>, vector<16xf32>,
    %get3A_191 = vector.shape_cast %get3A_190 : vector<16xf32> to vector<16xf32>
    %neg3A_192 = arith.constant 0.000000e+00 : f32
    %neg3A_193 = vector.broadcast %neg3A_192 : f32 to vector<16xf32>
    %neg3A_194 = arith.subf %neg3A_193, %get3A_191 : vector<16xf32>
    %exp3A_195 = math.exp %neg3A_194 : vector<16xf32>
    %add3A_196 = arith.constant 1.000000e+00 : f32
    %add3A_197 = vector.broadcast %add3A_196 : f32 to vector<16xf32>
    %add3A_198 = arith.addf %add3A_197, %exp3A_195 : vector<16xf32>
    %div3A_199 = arith.constant 3.000000e-01 : f32
    %div3A_200 = vector.broadcast %div3A_199 : f32 to vector<16xf32>
    %div3A_201 = arith.divf %div3A_200, %add3A_198 : vector<16xf32>
    %swap3A_202 = arith.constant 176 : index
    %swap3A_203 = tpu.vector_load %arg8[%swap3A_202] {strides = array<i32>} : memref<512xf32, #tpu.memory_space<vmem>>, vector<16xf32>,
    %swap3A_204 = vector.shape_cast %swap3A_203 : vector<16xf32> to vector<16xf32>
    %swap3A_205 = vector.shape_cast %div3A_201 : vector<16xf32> to vector<16xf32>
    tpu.vector_store %arg8[%swap3A_202], %swap3A_205 {strides = array<i32>} : memref<512xf32, #tpu.memory_space<vmem>>, vector<16xf32>,
    %get3A_206 = arith.constant 192 : index
    %get3A_207 = tpu.vector_load %arg7[%get3A_206] {strides = array<i32>} : memref<512xf32, #tpu.memory_space<vmem>>, vector<16xf32>,
    %get3A_208 = vector.shape_cast %get3A_207 : vector<16xf32> to vector<16xf32>
    %neg3A_209 = arith.constant 0.000000e+00 : f32
    %neg3A_210 = vector.broadcast %neg3A_209 : f32 to vector<16xf32>
    %neg3A_211 = arith.subf %neg3A_210, %get3A_208 : vector<16xf32>
    %exp3A_212 = math.exp %neg3A_211 : vector<16xf32>
    %add3A_213 = arith.constant 1.000000e+00 : f32
    %add3A_214 = vector.broadcast %add3A_213 : f32 to vector<16xf32>
    %add3A_215 = arith.addf %add3A_214, %exp3A_212 : vector<16xf32>
    %div3A_216 = arith.constant 3.000000e-01 : f32
    %div3A_217 = vector.broadcast %div3A_216 : f32 to vector<16xf32>
    %div3A_218 = arith.divf %div3A_217, %add3A_215 : vector<16xf32>
    %swap3A_219 = arith.constant 192 : index
    %swap3A_220 = tpu.vector_load %arg8[%swap3A_219] {strides = array<i32>} : memref<512xf32, #tpu.memory_space<vmem>>, vector<16xf32>,
    %swap3A_221 = vector.shape_cast %swap3A_220 : vector<16xf32> to vector<16xf32>
    %swap3A_222 = vector.shape_cast %div3A_218 : vector<16xf32> to vector<16xf32>
    tpu.vector_store %arg8[%swap3A_219], %swap3A_222 {strides = array<i32>} : memref<512xf32, #tpu.memory_space<vmem>>, vector<16xf32>,
    %get3A_223 = arith.constant 208 : index
    %get3A_224 = tpu.vector_load %arg7[%get3A_223] {strides = array<i32>} : memref<512xf32, #tpu.memory_space<vmem>>, vector<16xf32>,
    %get3A_225 = vector.shape_cast %get3A_224 : vector<16xf32> to vector<16xf32>
    %neg3A_226 = arith.constant 0.000000e+00 : f32
    %neg3A_227 = vector.broadcast %neg3A_226 : f32 to vector<16xf32>
    %neg3A_228 = arith.subf %neg3A_227, %get3A_225 : vector<16xf32>
    %exp3A_229 = math.exp %neg3A_228 : vector<16xf32>
    %add3A_230 = arith.constant 1.000000e+00 : f32
    %add3A_231 = vector.broadcast %add3A_230 : f32 to vector<16xf32>
    %add3A_232 = arith.addf %add3A_231, %exp3A_229 : vector<16xf32>
    %div3A_233 = arith.constant 3.000000e-01 : f32
    %div3A_234 = vector.broadcast %div3A_233 : f32 to vector<16xf32>
    %div3A_235 = arith.divf %div3A_234, %add3A_232 : vector<16xf32>
    %swap3A_236 = arith.constant 208 : index
    %swap3A_237 = tpu.vector_load %arg8[%swap3A_236] {strides = array<i32>} : memref<512xf32, #tpu.memory_space<vmem>>, vector<16xf32>,
    %swap3A_238 = vector.shape_cast %swap3A_237 : vector<16xf32> to vector<16xf32>
    %swap3A_239 = vector.shape_cast %div3A_235 : vector<16xf32> to vector<16xf32>
    tpu.vector_store %arg8[%swap3A_236], %swap3A_239 {strides = array<i32>} : memref<512xf32, #tpu.memory_space<vmem>>, vector<16xf32>,
    %get3A_240 = arith.constant 224 : index
    %get3A_241 = tpu.vector_load %arg7[%get3A_240] {strides = array<i32>} : memref<512xf32, #tpu.memory_space<vmem>>, vector<16xf32>,
    %get3A_242 = vector.shape_cast %get3A_241 : vector<16xf32> to vector<16xf32>
    %neg3A_243 = arith.constant 0.000000e+00 : f32
    %neg3A_244 = vector.broadcast %neg3A_243 : f32 to vector<16xf32>
    %neg3A_245 = arith.subf %neg3A_244, %get3A_242 : vector<16xf32>
    %exp3A_246 = math.exp %neg3A_245 : vector<16xf32>
    %add3A_247 = arith.constant 1.000000e+00 : f32
    %add3A_248 = vector.broadcast %add3A_247 : f32 to vector<16xf32>
    %add3A_249 = arith.addf %add3A_248, %exp3A_246 : vector<16xf32>
    %div3A_250 = arith.constant 3.000000e-01 : f32
    %div3A_251 = vector.broadcast %div3A_250 : f32 to vector<16xf32>
    %div3A_252 = arith.divf %div3A_251, %add3A_249 : vector<16xf32>
    %swap3A_253 = arith.constant 224 : index
    %swap3A_254 = tpu.vector_load %arg8[%swap3A_253] {strides = array<i32>} : memref<512xf32, #tpu.memory_space<vmem>>, vector<16xf32>,
    %swap3A_255 = vector.shape_cast %swap3A_254 : vector<16xf32> to vector<16xf32>
    %swap3A_256 = vector.shape_cast %div3A_252 : vector<16xf32> to vector<16xf32>
    tpu.vector_store %arg8[%swap3A_253], %swap3A_256 {strides = array<i32>} : memref<512xf32, #tpu.memory_space<vmem>>, vector<16xf32>,
    %get3A_257 = arith.constant 240 : index
    %get3A_258 = tpu.vector_load %arg7[%get3A_257] {strides = array<i32>} : memref<512xf32, #tpu.memory_space<vmem>>, vector<16xf32>,
    %get3A_259 = vector.shape_cast %get3A_258 : vector<16xf32> to vector<16xf32>
    %neg3A_260 = arith.constant 0.000000e+00 : f32
    %neg3A_261 = vector.broadcast %neg3A_260 : f32 to vector<16xf32>
    %neg3A_262 = arith.subf %neg3A_261, %get3A_259 : vector<16xf32>
    %exp3A_263 = math.exp %neg3A_262 : vector<16xf32>
    %add3A_264 = arith.constant 1.000000e+00 : f32
    %add3A_265 = vector.broadcast %add3A_264 : f32 to vector<16xf32>
    %add3A_266 = arith.addf %add3A_265, %exp3A_263 : vector<16xf32>
    %div3A_267 = arith.constant 3.000000e-01 : f32
    %div3A_268 = vector.broadcast %div3A_267 : f32 to vector<16xf32>
    %div3A_269 = arith.divf %div3A_268, %add3A_266 : vector<16xf32>
    %swap3A_270 = arith.constant 240 : index
    %swap3A_271 = tpu.vector_load %arg8[%swap3A_270] {strides = array<i32>} : memref<512xf32, #tpu.memory_space<vmem>>, vector<16xf32>,
    %swap3A_272 = vector.shape_cast %swap3A_271 : vector<16xf32> to vector<16xf32>
    %swap3A_273 = vector.shape_cast %div3A_269 : vector<16xf32> to vector<16xf32>
    tpu.vector_store %arg8[%swap3A_270], %swap3A_273 {strides = array<i32>} : memref<512xf32, #tpu.memory_space<vmem>>, vector<16xf32>,
    %get3A_274 = arith.constant 256 : index
    %get3A_275 = tpu.vector_load %arg7[%get3A_274] {strides = array<i32>} : memref<512xf32, #tpu.memory_space<vmem>>, vector<16xf32>,
    %get3A_276 = vector.shape_cast %get3A_275 : vector<16xf32> to vector<16xf32>
    %neg3A_277 = arith.constant 0.000000e+00 : f32
    %neg3A_278 = vector.broadcast %neg3A_277 : f32 to vector<16xf32>
    %neg3A_279 = arith.subf %neg3A_278, %get3A_276 : vector<16xf32>
    %exp3A_280 = math.exp %neg3A_279 : vector<16xf32>
    %add3A_281 = arith.constant 1.000000e+00 : f32
    %add3A_282 = vector.broadcast %add3A_281 : f32 to vector<16xf32>
    %add3A_283 = arith.addf %add3A_282, %exp3A_280 : vector<16xf32>
    %div3A_284 = arith.constant 3.000000e-01 : f32
    %div3A_285 = vector.broadcast %div3A_284 : f32 to vector<16xf32>
    %div3A_286 = arith.divf %div3A_285, %add3A_283 : vector<16xf32>
    %swap3A_287 = arith.constant 256 : index
    %swap3A_288 = tpu.vector_load %arg8[%swap3A_287] {strides = array<i32>} : memref<512xf32, #tpu.memory_space<vmem>>, vector<16xf32>,
    %swap3A_289 = vector.shape_cast %swap3A_288 : vector<16xf32> to vector<16xf32>
    %swap3A_290 = vector.shape_cast %div3A_286 : vector<16xf32> to vector<16xf32>
    tpu.vector_store %arg8[%swap3A_287], %swap3A_290 {strides = array<i32>} : memref<512xf32, #tpu.memory_space<vmem>>, vector<16xf32>,
    %get3A_291 = arith.constant 272 : index
    %get3A_292 = tpu.vector_load %arg7[%get3A_291] {strides = array<i32>} : memref<512xf32, #tpu.memory_space<vmem>>, vector<16xf32>,
    %get3A_293 = vector.shape_cast %get3A_292 : vector<16xf32> to vector<16xf32>
    %neg3A_294 = arith.constant 0.000000e+00 : f32
    %neg3A_295 = vector.broadcast %neg3A_294 : f32 to vector<16xf32>
    %neg3A_296 = arith.subf %neg3A_295, %get3A_293 : vector<16xf32>
    %exp3A_297 = math.exp %neg3A_296 : vector<16xf32>
    %add3A_298 = arith.constant 1.000000e+00 : f32
    %add3A_299 = vector.broadcast %add3A_298 : f32 to vector<16xf32>
    %add3A_300 = arith.addf %add3A_299, %exp3A_297 : vector<16xf32>
    %div3A_301 = arith.constant 3.000000e-01 : f32
    %div3A_302 = vector.broadcast %div3A_301 : f32 to vector<16xf32>
    %div3A_303 = arith.divf %div3A_302, %add3A_300 : vector<16xf32>
    %swap3A_304 = arith.constant 272 : index
    %swap3A_305 = tpu.vector_load %arg8[%swap3A_304] {strides = array<i32>} : memref<512xf32, #tpu.memory_space<vmem>>, vector<16xf32>,
    %swap3A_306 = vector.shape_cast %swap3A_305 : vector<16xf32> to vector<16xf32>
    %swap3A_307 = vector.shape_cast %div3A_303 : vector<16xf32> to vector<16xf32>
    tpu.vector_store %arg8[%swap3A_304], %swap3A_307 {strides = array<i32>} : memref<512xf32, #tpu.memory_space<vmem>>, vector<16xf32>,
    %get3A_308 = arith.constant 288 : index
    %get3A_309 = tpu.vector_load %arg7[%get3A_308] {strides = array<i32>} : memref<512xf32, #tpu.memory_space<vmem>>, vector<16xf32>,
    %get3A_310 = vector.shape_cast %get3A_309 : vector<16xf32> to vector<16xf32>
    %neg3A_311 = arith.constant 0.000000e+00 : f32
    %neg3A_312 = vector.broadcast %neg3A_311 : f32 to vector<16xf32>
    %neg3A_313 = arith.subf %neg3A_312, %get3A_310 : vector<16xf32>
    %exp3A_314 = math.exp %neg3A_313 : vector<16xf32>
    %add3A_315 = arith.constant 1.000000e+00 : f32
    %add3A_316 = vector.broadcast %add3A_315 : f32 to vector<16xf32>
    %add3A_317 = arith.addf %add3A_316, %exp3A_314 : vector<16xf32>
    %div3A_318 = arith.constant 3.000000e-01 : f32
    %div3A_319 = vector.broadcast %div3A_318 : f32 to vector<16xf32>
    %div3A_320 = arith.divf %div3A_319, %add3A_317 : vector<16xf32>
    %swap3A_321 = arith.constant 288 : index
    %swap3A_322 = tpu.vector_load %arg8[%swap3A_321] {strides = array<i32>} : memref<512xf32, #tpu.memory_space<vmem>>, vector<16xf32>,
    %swap3A_323 = vector.shape_cast %swap3A_322 : vector<16xf32> to vector<16xf32>
    %swap3A_324 = vector.shape_cast %div3A_320 : vector<16xf32> to vector<16xf32>
    tpu.vector_store %arg8[%swap3A_321], %swap3A_324 {strides = array<i32>} : memref<512xf32, #tpu.memory_space<vmem>>, vector<16xf32>,
    %get3A_325 = arith.constant 304 : index
    %get3A_326 = tpu.vector_load %arg7[%get3A_325] {strides = array<i32>} : memref<512xf32, #tpu.memory_space<vmem>>, vector<16xf32>,
    %get3A_327 = vector.shape_cast %get3A_326 : vector<16xf32> to vector<16xf32>
    %neg3A_328 = arith.constant 0.000000e+00 : f32
    %neg3A_329 = vector.broadcast %neg3A_328 : f32 to vector<16xf32>
    %neg3A_330 = arith.subf %neg3A_329, %get3A_327 : vector<16xf32>
    %exp3A_331 = math.exp %neg3A_330 : vector<16xf32>
    %add3A_332 = arith.constant 1.000000e+00 : f32
    %add3A_333 = vector.broadcast %add3A_332 : f32 to vector<16xf32>
    %add3A_334 = arith.addf %add3A_333, %exp3A_331 : vector<16xf32>
    %div3A_335 = arith.constant 3.000000e-01 : f32
    %div3A_336 = vector.broadcast %div3A_335 : f32 to vector<16xf32>
    %div3A_337 = arith.divf %div3A_336, %add3A_334 : vector<16xf32>
    %swap3A_338 = arith.constant 304 : index
    %swap3A_339 = tpu.vector_load %arg8[%swap3A_338] {strides = array<i32>} : memref<512xf32, #tpu.memory_space<vmem>>, vector<16xf32>,
    %swap3A_340 = vector.shape_cast %swap3A_339 : vector<16xf32> to vector<16xf32>
    %swap3A_341 = vector.shape_cast %div3A_337 : vector<16xf32> to vector<16xf32>
    tpu.vector_store %arg8[%swap3A_338], %swap3A_341 {strides = array<i32>} : memref<512xf32, #tpu.memory_space<vmem>>, vector<16xf32>,
    %get3A_342 = arith.constant 320 : index
    %get3A_343 = tpu.vector_load %arg7[%get3A_342] {strides = array<i32>} : memref<512xf32, #tpu.memory_space<vmem>>, vector<16xf32>,
    %get3A_344 = vector.shape_cast %get3A_343 : vector<16xf32> to vector<16xf32>
    %neg3A_345 = arith.constant 0.000000e+00 : f32
    %neg3A_346 = vector.broadcast %neg3A_345 : f32 to vector<16xf32>
    %neg3A_347 = arith.subf %neg3A_346, %get3A_344 : vector<16xf32>
    %exp3A_348 = math.exp %neg3A_347 : vector<16xf32>
    %add3A_349 = arith.constant 1.000000e+00 : f32
    %add3A_350 = vector.broadcast %add3A_349 : f32 to vector<16xf32>
    %add3A_351 = arith.addf %add3A_350, %exp3A_348 : vector<16xf32>
    %div3A_352 = arith.constant 3.000000e-01 : f32
    %div3A_353 = vector.broadcast %div3A_352 : f32 to vector<16xf32>
    %div3A_354 = arith.divf %div3A_353, %add3A_351 : vector<16xf32>
    %swap3A_355 = arith.constant 320 : index
    %swap3A_356 = tpu.vector_load %arg8[%swap3A_355] {strides = array<i32>} : memref<512xf32, #tpu.memory_space<vmem>>, vector<16xf32>,
    %swap3A_357 = vector.shape_cast %swap3A_356 : vector<16xf32> to vector<16xf32>
    %swap3A_358 = vector.shape_cast %div3A_354 : vector<16xf32> to vector<16xf32>
    tpu.vector_store %arg8[%swap3A_355], %swap3A_358 {strides = array<i32>} : memref<512xf32, #tpu.memory_space<vmem>>, vector<16xf32>,
    %get3A_359 = arith.constant 336 : index
    %get3A_360 = tpu.vector_load %arg7[%get3A_359] {strides = array<i32>} : memref<512xf32, #tpu.memory_space<vmem>>, vector<16xf32>,
    %get3A_361 = vector.shape_cast %get3A_360 : vector<16xf32> to vector<16xf32>
    %neg3A_362 = arith.constant 0.000000e+00 : f32
    %neg3A_363 = vector.broadcast %neg3A_362 : f32 to vector<16xf32>
    %neg3A_364 = arith.subf %neg3A_363, %get3A_361 : vector<16xf32>
    %exp3A_365 = math.exp %neg3A_364 : vector<16xf32>
    %add3A_366 = arith.constant 1.000000e+00 : f32
    %add3A_367 = vector.broadcast %add3A_366 : f32 to vector<16xf32>
    %add3A_368 = arith.addf %add3A_367, %exp3A_365 : vector<16xf32>
    %div3A_369 = arith.constant 3.000000e-01 : f32
    %div3A_370 = vector.broadcast %div3A_369 : f32 to vector<16xf32>
    %div3A_371 = arith.divf %div3A_370, %add3A_368 : vector<16xf32>
    %swap3A_372 = arith.constant 336 : index
    %swap3A_373 = tpu.vector_load %arg8[%swap3A_372] {strides = array<i32>} : memref<512xf32, #tpu.memory_space<vmem>>, vector<16xf32>,
    %swap3A_374 = vector.shape_cast %swap3A_373 : vector<16xf32> to vector<16xf32>
    %swap3A_375 = vector.shape_cast %div3A_371 : vector<16xf32> to vector<16xf32>
    tpu.vector_store %arg8[%swap3A_372], %swap3A_375 {strides = array<i32>} : memref<512xf32, #tpu.memory_space<vmem>>, vector<16xf32>,
    %get3A_376 = arith.constant 352 : index
    %get3A_377 = tpu.vector_load %arg7[%get3A_376] {strides = array<i32>} : memref<512xf32, #tpu.memory_space<vmem>>, vector<16xf32>,
    %get3A_378 = vector.shape_cast %get3A_377 : vector<16xf32> to vector<16xf32>
    %neg3A_379 = arith.constant 0.000000e+00 : f32
    %neg3A_380 = vector.broadcast %neg3A_379 : f32 to vector<16xf32>
    %neg3A_381 = arith.subf %neg3A_380, %get3A_378 : vector<16xf32>
    %exp3A_382 = math.exp %neg3A_381 : vector<16xf32>
    %add3A_383 = arith.constant 1.000000e+00 : f32
    %add3A_384 = vector.broadcast %add3A_383 : f32 to vector<16xf32>
    %add3A_385 = arith.addf %add3A_384, %exp3A_382 : vector<16xf32>
    %div3A_386 = arith.constant 3.000000e-01 : f32
    %div3A_387 = vector.broadcast %div3A_386 : f32 to vector<16xf32>
    %div3A_388 = arith.divf %div3A_387, %add3A_385 : vector<16xf32>
    %swap3A_389 = arith.constant 352 : index
    %swap3A_390 = tpu.vector_load %arg8[%swap3A_389] {strides = array<i32>} : memref<512xf32, #tpu.memory_space<vmem>>, vector<16xf32>,
    %swap3A_391 = vector.shape_cast %swap3A_390 : vector<16xf32> to vector<16xf32>
    %swap3A_392 = vector.shape_cast %div3A_388 : vector<16xf32> to vector<16xf32>
    tpu.vector_store %arg8[%swap3A_389], %swap3A_392 {strides = array<i32>} : memref<512xf32, #tpu.memory_space<vmem>>, vector<16xf32>,
    %get3A_393 = arith.constant 368 : index
    %get3A_394 = tpu.vector_load %arg7[%get3A_393] {strides = array<i32>} : memref<512xf32, #tpu.memory_space<vmem>>, vector<16xf32>,
    %get3A_395 = vector.shape_cast %get3A_394 : vector<16xf32> to vector<16xf32>
    %neg3A_396 = arith.constant 0.000000e+00 : f32
    %neg3A_397 = vector.broadcast %neg3A_396 : f32 to vector<16xf32>
    %neg3A_398 = arith.subf %neg3A_397, %get3A_395 : vector<16xf32>
    %exp3A_399 = math.exp %neg3A_398 : vector<16xf32>
    %add3A_400 = arith.constant 1.000000e+00 : f32
    %add3A_401 = vector.broadcast %add3A_400 : f32 to vector<16xf32>
    %add3A_402 = arith.addf %add3A_401, %exp3A_399 : vector<16xf32>
    %div3A_403 = arith.constant 3.000000e-01 : f32
    %div3A_404 = vector.broadcast %div3A_403 : f32 to vector<16xf32>
    %div3A_405 = arith.divf %div3A_404, %add3A_402 : vector<16xf32>
    %swap3A_406 = arith.constant 368 : index
    %swap3A_407 = tpu.vector_load %arg8[%swap3A_406] {strides = array<i32>} : memref<512xf32, #tpu.memory_space<vmem>>, vector<16xf32>,
    %swap3A_408 = vector.shape_cast %swap3A_407 : vector<16xf32> to vector<16xf32>
    %swap3A_409 = vector.shape_cast %div3A_405 : vector<16xf32> to vector<16xf32>
    tpu.vector_store %arg8[%swap3A_406], %swap3A_409 {strides = array<i32>} : memref<512xf32, #tpu.memory_space<vmem>>, vector<16xf32>,
    %get3A_410 = arith.constant 384 : index
    %get3A_411 = tpu.vector_load %arg7[%get3A_410] {strides = array<i32>} : memref<512xf32, #tpu.memory_space<vmem>>, vector<16xf32>,
    %get3A_412 = vector.shape_cast %get3A_411 : vector<16xf32> to vector<16xf32>
    %neg3A_413 = arith.constant 0.000000e+00 : f32
    %neg3A_414 = vector.broadcast %neg3A_413 : f32 to vector<16xf32>
    %neg3A_415 = arith.subf %neg3A_414, %get3A_412 : vector<16xf32>
    %exp3A_416 = math.exp %neg3A_415 : vector<16xf32>
    %add3A_417 = arith.constant 1.000000e+00 : f32
    %add3A_418 = vector.broadcast %add3A_417 : f32 to vector<16xf32>
    %add3A_419 = arith.addf %add3A_418, %exp3A_416 : vector<16xf32>
    %div3A_420 = arith.constant 3.000000e-01 : f32
    %div3A_421 = vector.broadcast %div3A_420 : f32 to vector<16xf32>
    %div3A_422 = arith.divf %div3A_421, %add3A_419 : vector<16xf32>
    %swap3A_423 = arith.constant 384 : index
    %swap3A_424 = tpu.vector_load %arg8[%swap3A_423] {strides = array<i32>} : memref<512xf32, #tpu.memory_space<vmem>>, vector<16xf32>,
    %swap3A_425 = vector.shape_cast %swap3A_424 : vector<16xf32> to vector<16xf32>
    %swap3A_426 = vector.shape_cast %div3A_422 : vector<16xf32> to vector<16xf32>
    tpu.vector_store %arg8[%swap3A_423], %swap3A_426 {strides = array<i32>} : memref<512xf32, #tpu.memory_space<vmem>>, vector<16xf32>,
    %get3A_427 = arith.constant 400 : index
    %get3A_428 = tpu.vector_load %arg7[%get3A_427] {strides = array<i32>} : memref<512xf32, #tpu.memory_space<vmem>>, vector<16xf32>,
    %get3A_429 = vector.shape_cast %get3A_428 : vector<16xf32> to vector<16xf32>
    %neg3A_430 = arith.constant 0.000000e+00 : f32
    %neg3A_431 = vector.broadcast %neg3A_430 : f32 to vector<16xf32>
    %neg3A_432 = arith.subf %neg3A_431, %get3A_429 : vector<16xf32>
    %exp3A_433 = math.exp %neg3A_432 : vector<16xf32>
    %add3A_434 = arith.constant 1.000000e+00 : f32
    %add3A_435 = vector.broadcast %add3A_434 : f32 to vector<16xf32>
    %add3A_436 = arith.addf %add3A_435, %exp3A_433 : vector<16xf32>
    %div3A_437 = arith.constant 3.000000e-01 : f32
    %div3A_438 = vector.broadcast %div3A_437 : f32 to vector<16xf32>
    %div3A_439 = arith.divf %div3A_438, %add3A_436 : vector<16xf32>
    %swap3A_440 = arith.constant 400 : index
    %swap3A_441 = tpu.vector_load %arg8[%swap3A_440] {strides = array<i32>} : memref<512xf32, #tpu.memory_space<vmem>>, vector<16xf32>,
    %swap3A_442 = vector.shape_cast %swap3A_441 : vector<16xf32> to vector<16xf32>
    %swap3A_443 = vector.shape_cast %div3A_439 : vector<16xf32> to vector<16xf32>
    tpu.vector_store %arg8[%swap3A_440], %swap3A_443 {strides = array<i32>} : memref<512xf32, #tpu.memory_space<vmem>>, vector<16xf32>,
    %get3A_444 = arith.constant 416 : index
    %get3A_445 = tpu.vector_load %arg7[%get3A_444] {strides = array<i32>} : memref<512xf32, #tpu.memory_space<vmem>>, vector<16xf32>,
    %get3A_446 = vector.shape_cast %get3A_445 : vector<16xf32> to vector<16xf32>
    %neg3A_447 = arith.constant 0.000000e+00 : f32
    %neg3A_448 = vector.broadcast %neg3A_447 : f32 to vector<16xf32>
    %neg3A_449 = arith.subf %neg3A_448, %get3A_446 : vector<16xf32>
    %exp3A_450 = math.exp %neg3A_449 : vector<16xf32>
    %add3A_451 = arith.constant 1.000000e+00 : f32
    %add3A_452 = vector.broadcast %add3A_451 : f32 to vector<16xf32>
    %add3A_453 = arith.addf %add3A_452, %exp3A_450 : vector<16xf32>
    %div3A_454 = arith.constant 3.000000e-01 : f32
    %div3A_455 = vector.broadcast %div3A_454 : f32 to vector<16xf32>
    %div3A_456 = arith.divf %div3A_455, %add3A_453 : vector<16xf32>
    %swap3A_457 = arith.constant 416 : index
    %swap3A_458 = tpu.vector_load %arg8[%swap3A_457] {strides = array<i32>} : memref<512xf32, #tpu.memory_space<vmem>>, vector<16xf32>,
    %swap3A_459 = vector.shape_cast %swap3A_458 : vector<16xf32> to vector<16xf32>
    %swap3A_460 = vector.shape_cast %div3A_456 : vector<16xf32> to vector<16xf32>
    tpu.vector_store %arg8[%swap3A_457], %swap3A_460 {strides = array<i32>} : memref<512xf32, #tpu.memory_space<vmem>>, vector<16xf32>,
    %get3A_461 = arith.constant 432 : index
    %get3A_462 = tpu.vector_load %arg7[%get3A_461] {strides = array<i32>} : memref<512xf32, #tpu.memory_space<vmem>>, vector<16xf32>,
    %get3A_463 = vector.shape_cast %get3A_462 : vector<16xf32> to vector<16xf32>
    %neg3A_464 = arith.constant 0.000000e+00 : f32
    %neg3A_465 = vector.broadcast %neg3A_464 : f32 to vector<16xf32>
    %neg3A_466 = arith.subf %neg3A_465, %get3A_463 : vector<16xf32>
    %exp3A_467 = math.exp %neg3A_466 : vector<16xf32>
    %add3A_468 = arith.constant 1.000000e+00 : f32
    %add3A_469 = vector.broadcast %add3A_468 : f32 to vector<16xf32>
    %add3A_470 = arith.addf %add3A_469, %exp3A_467 : vector<16xf32>
    %div3A_471 = arith.constant 3.000000e-01 : f32
    %div3A_472 = vector.broadcast %div3A_471 : f32 to vector<16xf32>
    %div3A_473 = arith.divf %div3A_472, %add3A_470 : vector<16xf32>
    %swap3A_474 = arith.constant 432 : index
    %swap3A_475 = tpu.vector_load %arg8[%swap3A_474] {strides = array<i32>} : memref<512xf32, #tpu.memory_space<vmem>>, vector<16xf32>,
    %swap3A_476 = vector.shape_cast %swap3A_475 : vector<16xf32> to vector<16xf32>
    %swap3A_477 = vector.shape_cast %div3A_473 : vector<16xf32> to vector<16xf32>
    tpu.vector_store %arg8[%swap3A_474], %swap3A_477 {strides = array<i32>} : memref<512xf32, #tpu.memory_space<vmem>>, vector<16xf32>,
    %get3A_478 = arith.constant 448 : index
    %get3A_479 = tpu.vector_load %arg7[%get3A_478] {strides = array<i32>} : memref<512xf32, #tpu.memory_space<vmem>>, vector<16xf32>,
    %get3A_480 = vector.shape_cast %get3A_479 : vector<16xf32> to vector<16xf32>
    %neg3A_481 = arith.constant 0.000000e+00 : f32
    %neg3A_482 = vector.broadcast %neg3A_481 : f32 to vector<16xf32>
    %neg3A_483 = arith.subf %neg3A_482, %get3A_480 : vector<16xf32>
    %exp3A_484 = math.exp %neg3A_483 : vector<16xf32>
    %add3A_485 = arith.constant 1.000000e+00 : f32
    %add3A_486 = vector.broadcast %add3A_485 : f32 to vector<16xf32>
    %add3A_487 = arith.addf %add3A_486, %exp3A_484 : vector<16xf32>
    %div3A_488 = arith.constant 3.000000e-01 : f32
    %div3A_489 = vector.broadcast %div3A_488 : f32 to vector<16xf32>
    %div3A_490 = arith.divf %div3A_489, %add3A_487 : vector<16xf32>
    %swap3A_491 = arith.constant 448 : index
    %swap3A_492 = tpu.vector_load %arg8[%swap3A_491] {strides = array<i32>} : memref<512xf32, #tpu.memory_space<vmem>>, vector<16xf32>,
    %swap3A_493 = vector.shape_cast %swap3A_492 : vector<16xf32> to vector<16xf32>
    %swap3A_494 = vector.shape_cast %div3A_490 : vector<16xf32> to vector<16xf32>
    tpu.vector_store %arg8[%swap3A_491], %swap3A_494 {strides = array<i32>} : memref<512xf32, #tpu.memory_space<vmem>>, vector<16xf32>,
    %get3A_495 = arith.constant 464 : index
    %get3A_496 = tpu.vector_load %arg7[%get3A_495] {strides = array<i32>} : memref<512xf32, #tpu.memory_space<vmem>>, vector<16xf32>,
    %get3A_497 = vector.shape_cast %get3A_496 : vector<16xf32> to vector<16xf32>
    %neg3A_498 = arith.constant 0.000000e+00 : f32
    %neg3A_499 = vector.broadcast %neg3A_498 : f32 to vector<16xf32>
    %neg3A_500 = arith.subf %neg3A_499, %get3A_497 : vector<16xf32>
    %exp3A_501 = math.exp %neg3A_500 : vector<16xf32>
    %add3A_502 = arith.constant 1.000000e+00 : f32
    %add3A_503 = vector.broadcast %add3A_502 : f32 to vector<16xf32>
    %add3A_504 = arith.addf %add3A_503, %exp3A_501 : vector<16xf32>
    %div3A_505 = arith.constant 3.000000e-01 : f32
    %div3A_506 = vector.broadcast %div3A_505 : f32 to vector<16xf32>
    %div3A_507 = arith.divf %div3A_506, %add3A_504 : vector<16xf32>
    %swap3A_508 = arith.constant 464 : index
    %swap3A_509 = tpu.vector_load %arg8[%swap3A_508] {strides = array<i32>} : memref<512xf32, #tpu.memory_space<vmem>>, vector<16xf32>,
    %swap3A_510 = vector.shape_cast %swap3A_509 : vector<16xf32> to vector<16xf32>
    %swap3A_511 = vector.shape_cast %div3A_507 : vector<16xf32> to vector<16xf32>
    tpu.vector_store %arg8[%swap3A_508], %swap3A_511 {strides = array<i32>} : memref<512xf32, #tpu.memory_space<vmem>>, vector<16xf32>,
    %get3A_512 = arith.constant 480 : index
    %get3A_513 = tpu.vector_load %arg7[%get3A_512] {strides = array<i32>} : memref<512xf32, #tpu.memory_space<vmem>>, vector<16xf32>,
    %get3A_514 = vector.shape_cast %get3A_513 : vector<16xf32> to vector<16xf32>
    %neg3A_515 = arith.constant 0.000000e+00 : f32
    %neg3A_516 = vector.broadcast %neg3A_515 : f32 to vector<16xf32>
    %neg3A_517 = arith.subf %neg3A_516, %get3A_514 : vector<16xf32>
    %exp3A_518 = math.exp %neg3A_517 : vector<16xf32>
    %add3A_519 = arith.constant 1.000000e+00 : f32
    %add3A_520 = vector.broadcast %add3A_519 : f32 to vector<16xf32>
    %add3A_521 = arith.addf %add3A_520, %exp3A_518 : vector<16xf32>
    %div3A_522 = arith.constant 3.000000e-01 : f32
    %div3A_523 = vector.broadcast %div3A_522 : f32 to vector<16xf32>
    %div3A_524 = arith.divf %div3A_523, %add3A_521 : vector<16xf32>
    %swap3A_525 = arith.constant 480 : index
    %swap3A_526 = tpu.vector_load %arg8[%swap3A_525] {strides = array<i32>} : memref<512xf32, #tpu.memory_space<vmem>>, vector<16xf32>,
    %swap3A_527 = vector.shape_cast %swap3A_526 : vector<16xf32> to vector<16xf32>
    %swap3A_528 = vector.shape_cast %div3A_524 : vector<16xf32> to vector<16xf32>
    tpu.vector_store %arg8[%swap3A_525], %swap3A_528 {strides = array<i32>} : memref<512xf32, #tpu.memory_space<vmem>>, vector<16xf32>,
    %get3A_529 = arith.constant 496 : index
    %get3A_530 = tpu.vector_load %arg7[%get3A_529] {strides = array<i32>} : memref<512xf32, #tpu.memory_space<vmem>>, vector<16xf32>,
    %get3A_531 = vector.shape_cast %get3A_530 : vector<16xf32> to vector<16xf32>
    %neg3A_532 = arith.constant 0.000000e+00 : f32
    %neg3A_533 = vector.broadcast %neg3A_532 : f32 to vector<16xf32>
    %neg3A_534 = arith.subf %neg3A_533, %get3A_531 : vector<16xf32>
    %exp3A_535 = math.exp %neg3A_534 : vector<16xf32>
    %add3A_536 = arith.constant 1.000000e+00 : f32
    %add3A_537 = vector.broadcast %add3A_536 : f32 to vector<16xf32>
    %add3A_538 = arith.addf %add3A_537, %exp3A_535 : vector<16xf32>
    %div3A_539 = arith.constant 3.000000e-01 : f32
    %div3A_540 = vector.broadcast %div3A_539 : f32 to vector<16xf32>
    %div3A_541 = arith.divf %div3A_540, %add3A_538 : vector<16xf32>
    %swap3A_542 = arith.constant 496 : index
    %swap3A_543 = tpu.vector_load %arg8[%swap3A_542] {strides = array<i32>} : memref<512xf32, #tpu.memory_space<vmem>>, vector<16xf32>,
    %swap3A_544 = vector.shape_cast %swap3A_543 : vector<16xf32> to vector<16xf32>
    %swap3A_545 = vector.shape_cast %div3A_541 : vector<16xf32> to vector<16xf32>
    tpu.vector_store %arg8[%swap3A_542], %swap3A_545 {strides = array<i32>} : memref<512xf32, #tpu.memory_space<vmem>>, vector<16xf32>,
    %dma_wait3A_546 = tpu.memref_slice %arg3[%mul3A_2] : memref<16384xi32, #tpu.memory_space<hbm>> -> memref<512xi32, #tpu.memory_space<hbm>>
    %dma_wait3A_547 = tpu.memref_slice %arg3[%mul3A_2] : memref<16384xi32, #tpu.memory_space<hbm>> -> memref<512xi32, #tpu.memory_space<hbm>>
    tpu.wait_dma2 semaphore(%arg11 : memref<!tpu.dma_semaphore, #tpu.memory_space<semaphore_mem>>) src(%dma_wait3A_547 : memref<512xi32, #tpu.memory_space<hbm>>) dst(%arg6 : memref<512xi32, #tpu.memory_space<vmem>>)
    %dma_start3A_548 = arith.constant 0 : i32
    %dma_start3A_549 = tpu.memref_slice %arg10[%dma_start3A_548] : memref<1000000xf32, #tpu.memory_space<vmem_shared>> -> memref<1000000xf32, #tpu.memory_space<vmem_shared>>
    tpu.enqueue_indirect_dma source(%arg8 : memref<512xf32, #tpu.memory_space<vmem>>) target(%dma_start3A_549 : memref<1000000xf32, #tpu.memory_space<vmem_shared>>) offsets(%arg6 : memref<512xi32, #tpu.memory_space<vmem>>) semaphore(%arg11 : memref<!tpu.dma_semaphore, #tpu.memory_space<semaphore_mem>>)
    %dma_wait3A_550 = arith.constant 0 : i32
    %dma_wait3A_551 = tpu.memref_slice %arg10[%dma_wait3A_550] : memref<1000000xf32, #tpu.memory_space<vmem_shared>> -> memref<1000000xf32, #tpu.memory_space<vmem_shared>>
    tpu.wait_indirect_dma semaphore(%arg11 : memref<!tpu.dma_semaphore, #tpu.memory_space<semaphore_mem>>) src(%arg8 : memref<512xf32, #tpu.memory_space<vmem>>) dst(%dma_wait3A_551 : memref<1000000xf32, #tpu.memory_space<vmem_shared>>)
    %barrier3A = arith.constant 0 : index
    tpu.barrier barrier_id(%barrier3A)
    %dma_start3A_552 = arith.constant 0 : i32
    %dma_start3A_553 = tpu.memref_slice %arg10[%dma_start3A_552] : memref<1000000xf32, #tpu.memory_space<vmem_shared>> -> memref<1000000xf32, #tpu.memory_space<vmem_shared>>
    tpu.enqueue_indirect_dma source(%dma_start3A_553 : memref<1000000xf32, #tpu.memory_space<vmem_shared>>) target(%arg9 : memref<512xf32, #tpu.memory_space<vmem>>) offsets(%arg6 : memref<512xi32, #tpu.memory_space<vmem>>) semaphore(%arg11 : memref<!tpu.dma_semaphore, #tpu.memory_space<semaphore_mem>>)
    %dma_wait3A_554 = arith.constant 0 : i32
    %dma_wait3A_555 = tpu.memref_slice %arg10[%dma_wait3A_554] : memref<1000000xf32, #tpu.memory_space<vmem_shared>> -> memref<1000000xf32, #tpu.memory_space<vmem_shared>>
    tpu.wait_indirect_dma semaphore(%arg11 : memref<!tpu.dma_semaphore, #tpu.memory_space<semaphore_mem>>) src(%dma_wait3A_555 : memref<1000000xf32, #tpu.memory_space<vmem_shared>>) dst(%arg9 : memref<512xf32, #tpu.memory_space<vmem>>)
    %dma_start3A_556 = tpu.memref_slice %arg5[%mul3A_2] : memref<16384xf32, #tpu.memory_space<hbm>> -> memref<512xf32, #tpu.memory_space<hbm>>
    %dma_start3A_557 = tpu.memref_slice %arg5[%mul3A_2] : memref<16384xf32, #tpu.memory_space<hbm>> -> memref<512xf32, #tpu.memory_space<hbm>>
    tpu.enqueue_dma source(%arg9 : memref<512xf32, #tpu.memory_space<vmem>>) target(%dma_start3A_557 : memref<512xf32, #tpu.memory_space<hbm>>) target_semaphore(%arg12 : memref<!tpu.dma_semaphore, #tpu.memory_space<semaphore_mem>>)
    %dma_wait3A_558 = tpu.memref_slice %arg5[%mul3A_2] : memref<16384xf32, #tpu.memory_space<hbm>> -> memref<512xf32, #tpu.memory_space<hbm>>
    %dma_wait3A_559 = tpu.memref_slice %arg5[%mul3A_2] : memref<16384xf32, #tpu.memory_space<hbm>> -> memref<512xf32, #tpu.memory_space<hbm>>
    tpu.wait_dma2 semaphore(%arg12 : memref<!tpu.dma_semaphore, #tpu.memory_space<semaphore_mem>>) src(%arg9 : memref<512xf32, #tpu.memory_space<vmem>>) dst(%dma_wait3A_559 : memref<512xf32, #tpu.memory_space<hbm>>)
    return
  }
}

</mosaic_0001>

<sc_bundles>
// kernel: kernel.3.cloned.1.call-start
scs
__scs_entry_jumppad:
0x0: {  	(pc) =	sbr.rel $0x88, $3  }
0x1: {  	(tag) =	ssettag $0x0;
	lr =	simm.s32 $0x1  }
0x2: {  	[smem:$0x3F9E] =	sst lr;
	_ =	strace $0xD0000000  }
0x3: {  	_ = 	snop  }
0x4: {  	_ = 	snop  }
0x5: {  	_ = 	snop  }
0x6: {  	_ = 	snop  }
0x7: {  	_ = 	snop  }
__scs_overlays_trampoline_lowered:
0x8: {  	[smem:$0x3FAD] =	sst s0  }
0x9: {  	[smem:$0x3FAE] =	sst s1  }
0xa: {  	[smem:$0x3FAF] =	sst s2  }
0xb: {  	[smem:$0x3FB0] =	sst s3  }
0xc: {  	[smem:$0x3FB1] =	sst s4  }
0xd: {  	[smem:$0x3FB2] =	sst s5  }
0xe: {  	[smem:$0x3FB3] =	sst s6  }
0xf: {  	[smem:$0x3FB4] =	sst s7  }
0x10: {  	[smem:$0x3FB5] =	sst s8  }
0x11: {  	[smem:$0x3FB6] =	sst s9;
	s0 =	simm.s32 @!p0 $0x0  }
0x12: {  	s1 =	sld [smem:$0x3F9C];
	s0 =	simm.s32 @p0 $0x1  }
0x13: {  	[smem:$0x3FB7] =	sst s0;
	s0 =	simm.s32 @!p1 $0x0  }
0x14: {  	s2 =	sld [smem:$0x3F9B];
	s0 =	simm.s32 @p1 $0x1  }
0x15: {  	[smem:$0x3FB8] =	sst s0;
	s0 =	simm.s32 @!p2 $0x0  }
0x16: {  	s3 =	sld [smem:$0x3FDB];
	s0 =	simm.s32 @p2 $0x1  }
0x17: {  	s4 =	simm.s32 $0x1BF5;
	[smem:$0x3FBA] =	sst s0  }
0x18: {  	s0 =	sld [smem:$0x3F9D];
	_ =	swait.ge [sflag:s4], $0x0  }
0x19: {  	s7 =	sld [smem:$0x3F9E]  }
0x1a: {  	s8 =	sadd.s32 $0xFFFFE003, lr  }
0x1b: {  	s9 =	sadd.s32 $0xFFFFFEF7, lr;
	s5 =	simm.s32 $0xFFFFFFFF;
	p2 =	slt.u32 s8, $0xFFFFF086  }
0x1c: {  	p1 =	slt.u32 s9, $0xF7A;
	s5 =	simm.s32 @!p2 $0x0  }
0x1d: {  	s5 =	simm.s32 @p1 $0x1;
	p0 =	seq.s32 s7, s2  }
0x1e: {  	s7 =	smul.u32 @!p0 $0xF7A, s2;
	p2 =	seq.s32 @!p0 s5, $0x0  }
0x1f: {  	s9 =	smul.u32 $0xF7A, s1;
	s8 =	simm.s32 @!p0 $0x1BF5;
	p2 =	por !p2, p0  }
0x20: {  	[sflag:s8] =	ssyncset.s32 @!p0 $0xFFFFF086;
	s6 =	sadd.s32 @!p0 s3, s7;
	s7 =	simm.s32 @!p0 $0x108  }
0x21: {  	s3 =	sadd.s32 s3, s9;
	s6 =	sadd.s32 @!p0 $0x88, s6;
	s7 =	simm.s32 @p2 $0x1082  }
0x22: {  	[simem:s7], [sflag:s8] =	dma.local @!p0 [hbm:s6], $0xF7A  }
0x23: {  	s9 =	sor.u32 $0xD0000000, s2;
	s6 =	simm.s32 $0x108;
	_ =	swait.ge @!p0 [sflag:s8], $0x0  }
0x24: {  	s3 =	sadd.s32 $0x88, s3;
	s6 =	simm.s32 @!p1 $0x1082;
	[sflag:s4] =	ssyncset.s32 $0xFFFFF086  }
0x25: {  	[simem:s6], [sflag:s4] =	dma.local [hbm:s3], $0xF7A  }
0x26: {  	[smem:$0x3F9E] =	sst s1;
	(tag) =	ssettag s2;
	_ =	strace s9  }
0x27: {  	s1 =	sld [smem:$0x3FAE]  }
0x28: {  	s2 =	sld [smem:$0x3FAF]  }
0x29: {  	s4 =	sld [smem:$0x3FB1]  }
0x2a: {  	p0 =	seq.s32 s5, $0x0;
	s5 =	sld [smem:$0x3FB2]  }
0x2b: {  	s6 =	sld [smem:$0x3FB3]  }
0x2c: {  	s7 =	sld [smem:$0x3FB4]  }
0x2d: {  	s3 =	simm.s32 $0x108;
	s8 =	sld [smem:$0x3FB5]  }
0x2e: {  	s3 =	simm.s32 @!p0 $0x1082;
	s9 =	sld [smem:$0x3FB6]  }
0x2f: {  	lr =	sadd.s32 s0, s3;
	s0 =	sld [smem:$0x3FAD]  }
0x30: {  	s3 =	sld [smem:$0x3FB0]  }
0x31: {  	[smem:$0x3FB9] =	sst s10  }
0x32: {  	s10 =	sld [smem:$0x3FB7];
	_ =	sdelay $0x3  }
0x33: {  	p0 =	seq.s32 s10, $0x1;
	s10 =	sld [smem:$0x3FB9];
	_ =	sdelay $0x3  }
0x34: {  	[smem:$0x3FB9] =	sst s10  }
0x35: {  	s10 =	sld [smem:$0x3FB8];
	_ =	sdelay $0x3  }
0x36: {  	p1 =	seq.s32 s10, $0x1;
	s10 =	sld [smem:$0x3FB9];
	_ =	sdelay $0x3  }
0x37: {  	[smem:$0x3FB9] =	sst s10  }
0x38: {  	s10 =	sld [smem:$0x3FBA]  }
0x39: {  	_ = 	snop;
	(pc) =	sbr.ind lr, $3  }
0x3a: {  	_ = 	snop  }
0x3b: {  	_ = 	snop  }
0x3c: {  	p2 =	seq.s32 s10, $0x1;
	s10 =	sld [smem:$0x3FB9]  }
0x3d: {  	_ =	shalt  }
0x3e: {  	_ =	shalt  }
0x3f: {  	_ =	shalt  }
0x40: {  	_ =	shalt  }
0x41: {  	_ =	shalt  }
0x42: {  	_ =	shalt  }
0x43: {  	_ =	shalt  }
0x44: {  	_ =	shalt  }
0x45: {  	_ =	shalt  }
0x46: {  	_ =	shalt  }
0x47: {  	_ =	shalt  }
0x48: {  	_ =	shalt  }
0x49: {  	_ =	shalt  }
0x4a: {  	_ =	shalt  }
0x4b: {  	_ =	shalt  }
0x4c: {  	_ =	shalt  }
0x4d: {  	_ =	shalt  }
0x4e: {  	_ =	shalt  }
0x4f: {  	_ =	shalt  }
0x50: {  	_ =	shalt  }
0x51: {  	_ =	shalt  }
0x52: {  	_ =	shalt  }
0x53: {  	_ =	shalt  }
0x54: {  	_ =	shalt  }
0x55: {  	_ =	shalt  }
0x56: {  	_ =	shalt  }
0x57: {  	_ =	shalt  }
0x58: {  	_ =	shalt  }
0x59: {  	_ =	shalt  }
0x5a: {  	_ =	shalt  }
0x5b: {  	_ =	shalt  }
0x5c: {  	_ =	shalt  }
0x5d: {  	_ =	shalt  }
0x5e: {  	_ =	shalt  }
0x5f: {  	_ =	shalt  }
0x60: {  	_ =	shalt  }
0x61: {  	_ =	shalt  }
0x62: {  	_ =	shalt  }
0x63: {  	_ =	shalt  }
0x64: {  	_ =	shalt  }
0x65: {  	_ =	shalt  }
0x66: {  	_ =	shalt  }
0x67: {  	_ =	shalt  }
0x68: {  	_ =	shalt  }
0x69: {  	_ =	shalt  }
0x6a: {  	_ =	shalt  }
0x6b: {  	_ =	shalt  }
0x6c: {  	_ =	shalt  }
0x6d: {  	_ =	shalt  }
0x6e: {  	_ =	shalt  }
0x6f: {  	_ =	shalt  }
0x70: {  	_ =	shalt  }
0x71: {  	_ =	shalt  }
0x72: {  	_ =	shalt  }
0x73: {  	_ =	shalt  }
0x74: {  	_ =	shalt  }
0x75: {  	_ =	shalt  }
0x76: {  	_ =	shalt  }
0x77: {  	_ =	shalt  }
0x78: {  	_ =	shalt  }
0x79: {  	_ =	shalt  }
0x7a: {  	_ =	shalt  }
0x7b: {  	_ =	shalt  }
0x7c: {  	_ =	shalt  }
0x7d: {  	_ =	shalt  }
0x7e: {  	_ =	shalt  }
0x7f: {  	_ =	shalt  }
0x80: {  	_ =	shalt  }
0x81: {  	_ =	shalt  }
0x82: {  	_ =	shalt  }
0x83: {  	_ =	shalt  }
0x84: {  	_ =	shalt  }
0x85: {  	_ =	shalt  }
0x86: {  	_ =	shalt  }
0x87: {  	_ =	shalt  }
.Lfunc_end0:
.L_simem_size_0:
called_computation_lowered:
.L_overlay_start_0:
0x88: {  	s2 =	sld [smem:$0x3FD9]  }
0x89: {  	s3 =	sld [smem:$0x3FFE];
	_ =	sdelay $0x1  }
0x8a: {  	s1 =	srdreg.scid  }
0x8b: {  	s0 =	sand.u32 $0x1, s1  }
0x8c: {  	s17 =	sshll.u32 s0, $0xA;
	s2 =	sadd.s32 s3, s2  }
0x8d: {  	s2 =	sadd.s32 s2, s17  }
0x8e: {  	[smem:$0x3FC5] =	sst s2  }
0x8f: {  	_ = 	snop  }
0x90: {  	s2 =	sld [smem:$0x3FC9]  }
0x91: {  	s18 =	sld [smem:$0x3FC7];
	(tm) =	ssettm $0x1  }
0x92: {  	s4 =	sld [smem:$0x3FFB];
	_ =	sdelay $0x3  }
0x93: {  	_ =	strace s4  }
0x94: {  	s4 =	sld [smem:$0x3FFC];
	_ =	sdelay $0x3  }
0x95: {  	_ =	strace s4  }
0x96: {  	s4 =	sld [smem:$0x3FFD];
	_ =	sdelay $0x3  }
0x97: {  	_ =	strace s4  }
0x98: {  	_ =	strace $0x8FFFFFFF  }
0x99: {  	s19 =	sld [smem:$0x3FDB];
	_ =	sdelay $0x1  }
0x9a: {  	s5 =	simm.s32 $_scs_section_size  }
0x9b: {  	s6 =	simm.s32 $_size__tile_overlayer_lowered;
	s7 =	simm.s32 $_tile_overlayer_lowered  }
0x9c: {  	s22 =	simm.s32 $0x1BFF;
	s21 =	sshll.u32 s7, $0x1;
	s4 =	sadd.s32 s5, s19  }
0x9d: {  	s8 =	simm.s32 $0x0;
	s20 =	sshll.u32 s6, $0x1;
	s6 =	sadd.s32 s21, s4  }
0x9e: {  	[timem:s8], [sflag:s22] =	dma.local [hbm:s6], s20  }
0x9f: {  	_ =	swait.ge [sflag:s22], s20  }
0xa0: {  	s5 =	ssub.s32 $0x0, s20;
	[sflag:s22] =	ssyncset.done $0x0  }
0xa1: {  	[sflag:s22] =	ssyncadd.s32 s5;
	_ =	sdelay $0x1  }
0xa2: {  	s23 =	simm.s32 $0x1B8B  }
0xa3: {  	_ =	swait.ge [sflag:s23], $0x1  }
0xa4: {  	[sflag:s23] =	ssyncset.done $0x0  }
0xa5: {  	s25 =	simm.s32 $0x1B8E;
	s24 =	sld [smem:$0x3FFE];
	[sflag:s23] =	ssyncadd.s32 $0xFFFFFFFF  }
0xa6: {  	s26 =	simm.s32 $execute0_lowered;
	[smem:$0x3FD2] =	sst s25  }
0xa7: {  	s6 =	sshll.u32 s26, $0x1;
	_ =	strace $0x80000046;
	[dreg:$0x1] =	wrdreg $0xFFFFFFFF  }
0xa8: {  	s28 =	simm.s32 $_size_execute0_lowered;
	s4 =	sadd.s32 s4, s6;
	[dreg:$0x0] =	wrdreg $0x0  }
0xa9: {  	s6 =	sshll.u32 s28, $0x1;
	[dreg:$0x2] =	wrdreg s4  }
0xaa: {  	[dreg:$0x3] =	wrdreg s6  }
0xab: {  	[dreg:$0x4] =	wrdreg $0xC0  }
0xac: {  	_ =	task [dreg:s8], $0x5FFFF  }
0xad: {  	[dreg:$0x1] =	wrdreg $0xFFFFFFFF  }
0xae: {  	[dreg:$0x0] =	wrdreg $0x60  }
0xaf: {  	[dreg:$0x2] =	wrdreg s2  }
0xb0: {  	[dreg:$0x3] =	wrdreg s18  }
0xb1: {  	[dreg:$0x4] =	wrdreg s24  }
0xb2: {  	[dreg:$0x5] =	wrdreg $0x8000  }
0xb3: {  	[dreg:$0x6] =	wrdreg $0x9  }
0xb4: {  	_ =	task.clear_ibuf [dreg:s8], $0x7FFFF;
	_ =	strace $0x90000046  }
0xb5: {  	s29 =	simm.s32 $0x9;
	_ =	strace $0x80000048  }
0xb6: {  	_ =	swait.ge [sflag:s29], $0x1  }
0xb7: {  	[sflag:s29] =	ssyncadd.s32 $0xFFFFFFFF  }
0xb8: {  	_ =	strace $0x90000048  }
0xb9: {  	_ =	sfence  }
0xba: {  	s30 =	sld [smem:$0x0];
	_ =	sdelay $0x2  }
0xbb: {  	s31 =	sshll.u32 s1, $0xD;
	s1 =	sshrl.u32 s1, $0x2  }
0xbc: {  	s3 =	sand.u32 $0x4000, s31;
	s1 =	sadd.s32 s1, s30  }
0xbd: {  	s0 =	sor.u32 s3, s0;
	s1 =	sshll.u32 s1, $0x11  }
0xbe: {  	s0 =	sor.u32 s1, s0  }
0xbf: {  	s0 =	sadd.s32 $0x8F2B, s0  }
0xc0: {  	[sflag:s0] =	ssyncadd.remote.s32 $0x1  }
0xc1: {  	_ =	sfence.sel $0xFFFF  }
0xc2: {  	[dreg:$0x0] =	wrdreg $0xFFFFFFFF;
	(pc) =	sbr.abs _section_cstart, $3  }
0xc3: {  	[dreg:$0x1] =	wrdreg $0xFFFFFFFF  }
0xc4: {  	_ =	task.clear_ibuf [dreg:s8], $0x2FFFF;
	_ =	strace $0x9FFFFFFF  }
0xc5: {  	(tm) =	ssettm $0x7FFFFFFF  }
tec
execute0_lowered:
.L_overlay_start_1:
0x0: {  	(tag) =	ssettag $0x1  }
0x1: {  	s4 =	rddreg [dreg:$0x0]  }
0x2: {  	s5 =	rddreg [dreg:$0x1]  }
0x3: {  	s8 =	rddreg [dreg:$0x2];
	s3 =	srdreg.scid  }
0x4: {  	s2 =	rddreg [dreg:$0x3];
	s1 =	stileid.u32;
	s10 =	sand.u32 $0x1, s3  }
0x5: {  	s3 =	simm.s32 $0x0;
	s6 =	sshll.u32 s1, $0x7;
	s7 =	sshll.u32 s10, $0x6  }
0x6: {  	[smem:$0x7FF] =	sst s3;
	s9 =	sor.u32 s7, s6  }
0x7: {  	s0 =	rddreg [dreg:$0x4];
	_ =	strace $0x80000047;
	s6 =	sadd.s32 s5, s9  }
0x8: {  	[tilespmem:s3], [sflag:$0x1] =	stream.linear.gather [hbm4b:s6+s3], $0x200, $0x38;
	[tilespmem:$0xFC28] =	vst v63  }
0x9: {  	s7 =	sadd.s32 s4, s9;
	s5 =	simm.s32 $0x200;
	s4 =	simm.s32 $0x2  }
0xa: {  	[tilespmem:s5], [sflag:$0x2] =	stream.linear.gather [hbm4b:s7+s3], $0x200, $0x38;
	[tilespmem:$0xFC28] =	vst v63  }
0xb: {  	_ =	swait.ge [sflag:s4], $0x200  }
0xc: {  	[sflag:s4] =	ssyncset.done $0x0  }
0xd: {  	[sflag:s4] =	ssyncadd.s32 $0xFFFFFE00  }
0xe: {  	v0 =	vld [tilespmem:$0x3F0]  }
0xf: {  	v1 =	vld [tilespmem:$0x370];
	_ =	sdelay $0x1  }
0x10: {  	v2 =	vld [tilespmem:$0x300]  }
0x11: {  	v3 =	vld [tilespmem:$0x250]  }
0x12: {  	v6 =	vld [tilespmem:$0x230];
	v0 =	vsub.f32 $0.0e+00, v0  }
0x13: {  	v4 =	vld [tilespmem:$0x240];
	v1 =	vsub.f32 $0.0e+00, v1  }
0x14: {  	v5 =	vld [tilespmem:$0x220];
	v0 =	vmul.f32 $1.442695020e+00, v0  }
0x15: {  	v7 =	vld [tilespmem:$0x210];
	v1 =	vmul.f32 $1.442695020e+00, v1  }
0x16: {  	v8 =	vld [tilespmem:$0x200];
	v2 =	vsub.f32 $0.0e+00, v2;
	(erf) = vpow2.f32 v0  }
0x17: {  	v9 =	vld [tilespmem:$0x260];
	(erf) = vpow2.f32 v1;
	v1 =	vsub.f32 $0.0e+00, v6  }
0x18: {  	v12 =	vld [tilespmem:$0x2D0];
	v2 =	vmul.f32 $1.442695020e+00, v2  }
0x19: {  	v4 =	vsub.f32 $0.0e+00, v4;
	v6 =	vld [tilespmem:$0x290];
	v1 =	vmul.f32 $1.442695020e+00, v1  }
0x1a: {  	v0 =	vsub.f32 $0.0e+00, v5;
	v5 =	vld [tilespmem:$0x280];
	(erf) = vpow2.f32 v2;
	v2 =	vsub.f32 $0.0e+00, v7  }
0x1b: {  	v10 =	vld [tilespmem:$0x2B0];
	v8 =	vsub.f32 $0.0e+00, v8;
	v3 =	vsub.f32 $0.0e+00, v3;
	(erf) = vpow2.f32 v1  }
0x1c: {  	v9 =	vsub.f32 $0.0e+00, v9;
	v4 =	vmul.f32 $1.442695020e+00, v4;
	v7 =	vld [tilespmem:$0x2A0];
	v2 =	vmul.f32 $1.442695020e+00, v2  }
0x1d: {  	v11 =	vld [tilespmem:$0x2C0];
	v12 =	vsub.f32 $0.0e+00, v12;
	v8 =	vmul.f32 $1.442695020e+00, v8;
	v3 =	vmul.f32 $1.442695020e+00, v3  }
0x1e: {  	v9 =	vmul.f32 $1.442695020e+00, v9;
	v6 =	vsub.f32 $0.0e+00, v6;
	(erf) = vpow2.f32 v2  }
0x1f: {  	v0 =	vmul.f32 $1.442695020e+00, v0;
	v5 =	vsub.f32 $0.0e+00, v5;
	(erf) = vpow2.f32 v8;
	v8 =	vld [tilespmem:$0x270]  }
0x20: {  	v13 =	vld [tilespmem:$0x2E0];
	v2 =	vmul.f32 $1.442695020e+00, v6;
	v6 =	vsub.f32 $0.0e+00, v10;
	v10 =	vpop (erf);
	(erf) = vpow2.f32 v4  }
0x21: {  	v14 =	vld [tilespmem:$0x320];
	v1 =	vmul.f32 $1.442695020e+00, v5;
	v5 =	vsub.f32 $0.0e+00, v7;
	(erf) = vpow2.f32 v0  }
0x22: {  	v11 =	vsub.f32 $0.0e+00, v11;
	v12 =	vmul.f32 $1.442695020e+00, v12;
	v7 =	vld [tilespmem:$0x2F0];
	v4 =	vpop (erf);
	(erf) = vpow2.f32 v3  }
0x23: {  	v5 =	vmul.f32 $1.442695020e+00, v5;
	v4 =	vadd.f32 $1.000000000e+00, v4;
	v3 =	vpop (erf);
	(erf) = vpow2.f32 v9  }
0x24: {  	v0 =	vmul.f32 $1.442695020e+00, v11;
	v9 =	vld [tilespmem:$0x330];
	(erf) = vpow2.f32 v2;
	v2 =	vsub.f32 $0.0e+00, v8;
	v8 =	vpop (erf)  }
0x25: {  	v11 =	vsub.f32 $0.0e+00, v13;
	(erf) = vrcp.f32 v4;
	v4 =	vld [tilespmem:$0x380];
	v8 =	vadd.f32 $1.000000000e+00, v8  }
0x26: {  	v13 =	vld [tilespmem:$0x340];
	v15 =	vmul.f32 $1.442695020e+00, v6;
	v6 =	vsub.f32 $0.0e+00, v14;
	(erf) = vpow2.f32 v5  }
0x27: {  	v7 =	vsub.f32 $0.0e+00, v7;
	v11 =	vmul.f32 $1.442695020e+00, v11;
	v5 =	vld [tilespmem:$0x390];
	v16 =	vpop (erf);
	(erf) = vpow2.f32 v0  }
0x28: {  	v14 =	vld [tilespmem:$0x350];
	v3 =	vadd.f32 $1.000000000e+00, v3;
	v17 =	vadd.f32 $1.000000000e+00, v16;
	v16 =	vpop (erf);
	(erf) = vpow2.f32 v1  }
0x29: {  	v7 =	vmul.f32 $1.442695020e+00, v7;
	v0 =	vld [tilespmem:$0x310];
	(erf) = vrcp.f32 v8;
	v8 =	vpop (erf)  }
0x2a: {  	v1 =	vsub.f32 $0.0e+00, v9;
	v18 =	vpop (erf);
	(erf) = vrcp.f32 v3;
	v3 =	vsub.f32 $0.0e+00, v4  }
0x2b: {  	v2 =	vmul.f32 $1.442695020e+00, v2;
	v13 =	vsub.f32 $0.0e+00, v13;
	v9 =	vmul.f32 $1.442695020e+00, v6  }
0x2c: {  	v19 =	vld [tilespmem:$0x360];
	v21 =	vmul.f32 $1.442695020e+00, v1;
	v1 =	vsub.f32 $0.0e+00, v5;
	v20 =	vpop (erf);
	(erf) = vpow2.f32 v12  }
0x2d: {  	v4 =	vsub.f32 $0.0e+00, v14;
	v12 =	vpop (erf);
	(erf) = vpow2.f32 v2;
	v2 =	vmul.f32 $1.442695020e+00, v3  }
0x2e: {  	v0 =	vsub.f32 $0.0e+00, v0;
	v22 =	vmul.f32 $1.442695020e+00, v1;
	(erf) = vpow2.f32 v11;
	v3 =	vpop (erf)  }
0x2f: {  	v5 =	vld [tilespmem:$0x3C0];
	v1 =	vadd.f32 $1.000000000e+00, v8;
	v8 =	vmul.f32 $1.442695020e+00, v4;
	(erf) = vpow2.f32 v7;
	v6 =	vpop (erf)  }
0x30: {  	v14 =	vld [tilespmem:$0x3B0];
	v0 =	vmul.f32 $1.442695020e+00, v0;
	v4 =	vadd.f32 $1.000000000e+00, v3;
	(erf) = vpow2.f32 v9;
	v3 =	vpop (erf)  }
0x31: {  	v7 =	vsub.f32 $0.0e+00, v19;
	v19 =	vpop (erf);
	v3 =	vadd.f32 $1.000000000e+00, v3;
	(erf) = vpow2.f32 v15;
	v15 =	vld [tilespmem:$0x3A0]  }
0x32: {  	v13 =	vmul.f32 $1.442695020e+00, v13;
	v9 =	vadd.f32 $1.000000000e+00, v20;
	v20 =	vpop (erf);
	(erf) = vpow2.f32 v0  }
0x33: {  	v24 =	vmul.f32 $1.442695020e+00, v7;
	v11 =	vpop (erf);
	(erf) = vrcp.f32 v3  }
0x34: {  	v23 =	vld [tilespmem:$0x3D0];
	v7 =	vadd.f32 $1.000000000e+00, v12;
	v12 =	vadd.f32 $1.000000000e+00, v20;
	v20 =	vpop (erf);
	(erf) = vpow2.f32 v13  }
0x35: {  	s10 =	ssub.s32 $0x2, s10;
	v5 =	vsub.f32 $0.0e+00, v5;
	(erf) = vpow2.f32 v2;
	v2 =	vld [tilespmem:$0x3E0]  }
0x36: {  	s11 =	sshrl.u32 s10, $0x1;
	v14 =	vsub.f32 $0.0e+00, v14;
	v13 =	vpop (erf);
	(erf) = vpow2.f32 v21;
	v15 =	vsub.f32 $0.0e+00, v15  }
0x37: {  	s10 =	ssub.s32 s10, s11;
	v0 =	vadd.f32 $1.000000000e+00, v19;
	v19 =	vadd.f32 $1.000000000e+00, v16;
	v16 =	vpop (erf);
	(erf) = vrcp.f32 v17  }
0x38: {  	s12 =	smax.u32 s10, $0x1;
	v5 =	vmul.f32 $1.442695020e+00, v5;
	v3 =	vadd.f32 $1.000000000e+00, v18;
	v18 =	vpop (erf);
	(erf) = vpow2.f32 v24  }
0x39: {  	p0 =	sne.s32 s12, $0x1;
	v23 =	vsub.f32 $0.0e+00, v23;
	v17 =	vmul.f32 $1.442695020e+00, v14;
	v21 =	vpop (erf);
	(erf) = vpow2.f32 v22  }
.Ltmp0:
0x3a: {  	v14 =	vmul.f32 $1.442695020e+00, v15;
	v15 =	vpop (erf);
	(erf) = vpow2.f32 v5;
	v5 =	vsub.f32 $0.0e+00, v2;
	(pc) =	sbr.rel @!p0 .LBB2_2-.Ltmp0, $4  }
0x3b: {  	v25 =	vmul.f32 $3.000000120e-01, v20;
	v22 =	vadd.f32 $1.000000000e+00, v15;
	v15 =	vadd.f32 $1.000000000e+00, v10;
	v63 =	vpop (erf)  }
0x3c: {  	v13 =	vadd.f32 $1.000000000e+00, v13;
	v18 =	vadd.f32 $1.000000000e+00, v18;
	(erf) = vrcp.f32 v19;
	v20 =	vpop (erf)  }
0x3d: {  	s8 =	sadd.s32 s9, s8;
	s9 =	simm.s32 $0x1;
	s11 =	simm.s32 $0x400;
	v2 =	vadd.f32 $1.000000000e+00, v21;
	v19 =	vmul.f32 $1.442695020e+00, v23;
	v10 =	vpop (erf);
	(erf) = vrcp.f32 v15  }
0x3e: {  	s8 =	sadd.s32 $0x400, s8;
	s10 =	simm.s32 $0x600;
	s12 =	sadd.s32 $0xFFFFFFFF, s12;
	[tilespmem:$0x500] =	vst v25;
	v21 =	vadd.f32 $1.000000000e+00, v63;
	v15 =	vmul.f32 $1.442695020e+00, v5;
	(erf) = vrcp.f32 v22;
	v5 =	vpop (erf)  }
.LBB2_1:
0x3f: {  	p0 =	sne.s32 s12, $0x1;
	s12 =	sadd.s32 $0xFFFFFFFF, s12;
	(erf) = vrcp.f32 v18;
	v18 =	vpop (erf)  }
0x40: {  	v23 =	vadd.f32 $1.000000000e+00, v16;
	v22 =	vpop (erf);
	(erf) = vpow2.f32 v17  }
0x41: {  	v17 =	vpop (erf);
	(erf) = vrcp.f32 v21  }
0x42: {  	v24 =	vadd.f32 $1.000000000e+00, v20;
	(erf) = vrcp.f32 v23;
	v16 =	vpop (erf)  }
0x43: {  	v21 =	vpop (erf);
	(erf) = vpow2.f32 v19  }
0x44: {  	v19 =	vadd.f32 $1.000000000e+00, v21;
	(erf) = vrcp.f32 v24;
	v20 =	vpop (erf)  }
0x45: {  	v23 =	vmul.f32 $3.000000120e-01, v11;
	v21 =	vpop (erf);
	(erf) = vrcp.f32 v12  }
0x46: {  	v12 =	vmul.f32 $3.000000120e-01, v21;
	(erf) = vpow2.f32 v8;
	v8 =	vpop (erf)  }
0x47: {  	v21 =	vmul.f32 $3.000000120e-01, v6;
	[tilespmem:$0x430] =	vst v23;
	v11 =	vpop (erf);
	(erf) = vpow2.f32 v14  }
0x48: {  	v8 =	vmul.f32 $3.000000120e-01, v8;
	[tilespmem:$0x400] =	vst v12;
	(erf) = vrcp.f32 v9;
	v9 =	vpop (erf)  }
0x49: {  	v12 =	vmul.f32 $3.000000120e-01, v9;
	[tilespmem:$0x570] =	vst v21;
	(erf) = vrcp.f32 v13;
	v6 =	vpop (erf)  }
0x4a: {  	v6 =	vadd.f32 $1.000000000e+00, v6;
	[tilespmem:$0x5F0] =	vst v8;
	(erf) = vrcp.f32 v4;
	v4 =	vpop (erf)  }
0x4b: {  	[tilespmem:$0x4E0] =	vst v12;
	v12 =	vmul.f32 $3.000000120e-01, v11;
	v9 =	vpop (erf);
	(erf) = vpow2.f32 v15  }
0x4c: {  	v13 =	vmul.f32 $3.000000120e-01, v4;
	v11 =	vadd.f32 $1.000000000e+00, v16;
	(erf) = vrcp.f32 v7;
	v7 =	vpop (erf)  }
0x4d: {  	v9 =	vmul.f32 $3.000000120e-01, v9;
	[tilespmem:$0x520] =	vst v12;
	v7 =	vadd.f32 $1.000000000e+00, v7;
	v8 =	vpop (erf);
	(erf) = vrcp.f32 v6  }
0x4e: {  	[tilespmem:$0x4B0] =	vst v13;
	v4 =	vpop (erf);
	(erf) = vrcp.f32 v11  }
0x4f: {  	v6 =	vadd.f32 $1.000000000e+00, v20;
	[tilespmem:$0x470] =	vst v9;
	v11 =	vmul.f32 $3.000000120e-01, v4;
	(erf) = vrcp.f32 v3;
	v3 =	vpop (erf)  }
0x50: {  	v3 =	vadd.f32 $1.000000000e+00, v3;
	(erf) = vrcp.f32 v1;
	v1 =	vpop (erf)  }
0x51: {  	v9 =	vmul.f32 $3.000000120e-01, v10;
	v1 =	vadd.f32 $1.000000000e+00, v1;
	v10 =	vpop (erf);
	(erf) = vrcp.f32 v6  }
0x52: {  	v12 =	vmul.f32 $3.000000120e-01, v10;
	[tilespmem:$0x480] =	vst v11;
	v4 =	vpop (erf);
	(erf) = vrcp.f32 v3  }
0x53: {  	v3 =	vmul.f32 $3.000000120e-01, v4;
	v4 =	vadd.f32 $1.000000000e+00, v18;
	v10 =	vpop (erf);
	(erf) = vrcp.f32 v1  }
0x54: {  	[tilespmem:$0x450] =	vst v12;
	v10 =	vmul.f32 $3.000000120e-01, v10;
	(erf) = vrcp.f32 v7;
	v6 =	vpop (erf)  }
0x55: {  	v7 =	vadd.f32 $1.000000000e+00, v22;
	[tilespmem:$0x4D0] =	vst v3;
	v3 =	vmul.f32 $3.000000120e-01, v8;
	v6 =	vadd.f32 $1.000000000e+00, v6;
	v8 =	vpop (erf)  }
0x56: {  	v8 =	vmul.f32 $3.000000120e-01, v8;
	[tilespmem:$0x490] =	vst v10;
	(erf) = vrcp.f32 v4;
	v1 =	vpop (erf)  }
0x57: {  	[tilespmem:$0x4A0] =	vst v9;
	v9 =	vmul.f32 $3.000000120e-01, v1;
	(erf) = vrcp.f32 v7;
	v4 =	vpop (erf)  }
0x58: {  	v10 =	vadd.f32 $1.000000000e+00, v5;
	v7 =	vmul.f32 $3.000000120e-01, v17;
	[tilespmem:$0x510] =	vst v3;
	v4 =	vmul.f32 $3.000000120e-01, v4;
	v5 =	vpop (erf)  }
0x59: {  	v5 =	vmul.f32 $3.000000120e-01, v5;
	[tilespmem:$0x5B0] =	vst v9;
	v1 =	vpop (erf);
	(erf) = vrcp.f32 v19  }
0x5a: {  	v1 =	vmul.f32 $3.000000120e-01, v1;
	[tilespmem:$0x460] =	vst v8;
	(erf) = vrcp.f32 v10;
	v3 =	vpop (erf)  }
0x5b: {  	v3 =	vmul.f32 $3.000000120e-01, v3;
	(erf) = vrcp.f32 v2;
	v2 =	vpop (erf)  }
0x5c: {  	v2 =	vmul.f32 $3.000000120e-01, v2;
	[tilespmem:$0x560] =	vst v4;
	(erf) = vrcp.f32 v0;
	v0 =	vpop (erf)  }
0x5d: {  	[tilespmem:$0x420] =	vst v5;
	v0 =	vmul.f32 $3.000000120e-01, v0;
	v4 =	vpop (erf);
	(erf) = vrcp.f32 v6  }
0x5e: {  	[tilespmem:$0x440] =	vst v1;
	v1 =	vmul.f32 $3.000000120e-01, v4  }
0x5f: {  	[tilespmem:$0x5C0] =	vst v3;
	v3 =	vpop (erf)  }
0x60: {  	[tilespmem:$0x410] =	vst v7;
	v3 =	vmul.f32 $3.000000120e-01, v3;
	v4 =	vpop (erf)  }
0x61: {  	v4 =	vmul.f32 $3.000000120e-01, v4;
	[tilespmem:$0x5D0] =	vst v1  }
0x62: {  	[tilespmem:$0x5A0] =	vst v0;
	v0 =	vpop (erf)  }
0x63: {  	[tilespmem:$0x550] =	vst v2;
	v5 =	vmul.f32 $3.000000120e-01, v0;
	v1 =	vpop (erf)  }
0x64: {  	v1 =	vmul.f32 $3.000000120e-01, v1;
	[tilespmem:$0x580] =	vst v3;
	v2 =	vpop (erf)  }
0x65: {  	v2 =	vmul.f32 $3.000000120e-01, v2;
	[tilespmem:$0x590] =	vst v5;
	v0 =	vpop (erf)  }
0x66: {  	v0 =	vmul.f32 $3.000000120e-01, v0;
	[tilespmem:$0x530] =	vst v4;
	v3 =	vpop (erf)  }
0x67: {  	[tilespmem:$0x540] =	vst v1;
	v1 =	vmul.f32 $3.000000120e-01, v3  }
0x68: {  	[tilespmem:$0x4C0] =	vst v0  }
0x69: {  	[tilespmem:$0x5E0] =	vst v1  }
0x6a: {  	[tilespmem:$0x4F0] =	vst v2  }
0x6b: {  	_ =	swait.ge [sflag:s9], $0x200  }
0x6c: {  	[sflag:s9] =	ssyncset.done $0x0  }
0x6d: {  	[sflag:s9] =	ssyncadd.s32 $0xFFFFFE00  }
0x6e: {  	[spmem:s2] =	stream.indirect.scatter [tilespmem:s11], [sflag:$0x1], $0x1, s3, s5, $0xb8;
	[tilespmem:$0xFC28] =	vst v63  }
0x6f: {  	_ =	swait.ge [sflag:s9], $0x200  }
0x70: {  	[sflag:s9] =	ssyncset.done $0x0  }
0x71: {  	[sflag:s9] =	ssyncadd.s32 $0xFFFFFE00  }
0x72: {  	[bflag:$0x0] =	sbarrier.arrive $0xFFFF  }
0x73: {  	[tilespmem:s10], [sflag:$0x1] =	stream.indirect.gather [spmem:s2], $0x1, s3, s5, $0xb8;
	[tilespmem:$0xFC28] =	vst v63  }
0x74: {  	_ =	swait.ge [sflag:s9], $0x200  }
0x75: {  	[sflag:s9] =	ssyncset.done $0x0  }
0x76: {  	[sflag:s9] =	ssyncadd.s32 $0xFFFFFE00  }
0x77: {  	[hbm4b:s8+s3] =	stream.linear.scatter [tilespmem:s10], [sflag:$0x2], $0x200, $0x38;
	[tilespmem:$0xFC28] =	vst v63  }
0x78: {  	_ =	swait.ge [sflag:s4], $0x200  }
0x79: {  	[sflag:s4] =	ssyncset.done $0x0  }
0x7a: {  	[sflag:s4] =	ssyncadd.s32 $0xFFFFFE00  }
0x7b: {  	[tilespmem:s3], [sflag:$0x1] =	stream.linear.gather [hbm4b:s6+s3], $0x200, $0x38;
	[tilespmem:$0xFC28] =	vst v63  }
0x7c: {  	_ = 	snop  }
0x7d: {  	[tilespmem:s5], [sflag:$0x2] =	stream.linear.gather [hbm4b:s7+s3], $0x200, $0x38;
	[tilespmem:$0xFC28] =	vst v63  }
0x7e: {  	_ =	swait.ge [sflag:s4], $0x200  }
0x7f: {  	[sflag:s4] =	ssyncset.done $0x0  }
0x80: {  	[sflag:s4] =	ssyncadd.s32 $0xFFFFFE00  }
0x81: {  	v0 =	vld [tilespmem:$0x3F0]  }
0x82: {  	v1 =	vld [tilespmem:$0x370]  }
0x83: {  	v2 =	vld [tilespmem:$0x300]  }
0x84: {  	v3 =	vld [tilespmem:$0x250]  }
0x85: {  	v4 =	vld [tilespmem:$0x240]  }
0x86: {  	v5 =	vld [tilespmem:$0x220];
	v0 =	vsub.f32 $0.0e+00, v0  }
0x87: {  	v6 =	vld [tilespmem:$0x230];
	v1 =	vsub.f32 $0.0e+00, v1  }
0x88: {  	v7 =	vld [tilespmem:$0x210];
	v2 =	vsub.f32 $0.0e+00, v2;
	v0 =	vmul.f32 $1.442695020e+00, v0  }
0x89: {  	v8 =	vld [tilespmem:$0x200];
	v1 =	vmul.f32 $1.442695020e+00, v1  }
0x8a: {  	v9 =	vld [tilespmem:$0x260];
	v2 =	vmul.f32 $1.442695020e+00, v2;
	(erf) = vpow2.f32 v0  }
0x8b: {  	v0 =	vsub.f32 $0.0e+00, v5;
	v5 =	vld [tilespmem:$0x280];
	(erf) = vpow2.f32 v1  }
0x8c: {  	v1 =	vsub.f32 $0.0e+00, v6;
	v6 =	vld [tilespmem:$0x290];
	(erf) = vpow2.f32 v2  }
0x8d: {  	v4 =	vsub.f32 $0.0e+00, v4;
	v2 =	vsub.f32 $0.0e+00, v7;
	v0 =	vmul.f32 $1.442695020e+00, v0;
	v7 =	vld [tilespmem:$0x2A0]  }
0x8e: {  	v3 =	vsub.f32 $0.0e+00, v3;
	v8 =	vsub.f32 $0.0e+00, v8;
	v1 =	vmul.f32 $1.442695020e+00, v1;
	v10 =	vld [tilespmem:$0x2B0]  }
0x8f: {  	v4 =	vmul.f32 $1.442695020e+00, v4;
	v2 =	vmul.f32 $1.442695020e+00, v2;
	v9 =	vsub.f32 $0.0e+00, v9;
	v11 =	vld [tilespmem:$0x2C0]  }
0x90: {  	v3 =	vmul.f32 $1.442695020e+00, v3;
	v8 =	vmul.f32 $1.442695020e+00, v8;
	v15 =	vsub.f32 $0.0e+00, v5;
	v12 =	vld [tilespmem:$0x2D0]  }
0x91: {  	v9 =	vmul.f32 $1.442695020e+00, v9;
	v6 =	vsub.f32 $0.0e+00, v6;
	v13 =	vld [tilespmem:$0x2E0];
	(erf) = vpow2.f32 v1  }
0x92: {  	v1 =	vmul.f32 $1.442695020e+00, v15;
	v7 =	vsub.f32 $0.0e+00, v7;
	v14 =	vld [tilespmem:$0x2F0];
	(erf) = vpow2.f32 v2  }
0x93: {  	v2 =	vld [tilespmem:$0x270];
	v6 =	vmul.f32 $1.442695020e+00, v6;
	v10 =	vsub.f32 $0.0e+00, v10;
	(erf) = vpow2.f32 v8;
	v5 =	vpop (erf)  }
0x94: {  	v7 =	vmul.f32 $1.442695020e+00, v7;
	v8 =	vsub.f32 $0.0e+00, v11;
	v11 =	vld [tilespmem:$0x310];
	(erf) = vpow2.f32 v4;
	v4 =	vpop (erf)  }
0x95: {  	v12 =	vsub.f32 $0.0e+00, v12;
	v15 =	vld [tilespmem:$0x320];
	v4 =	vadd.f32 $1.000000000e+00, v4;
	(erf) = vpow2.f32 v0;
	v0 =	vpop (erf)  }
0x96: {  	v8 =	vmul.f32 $1.442695020e+00, v8;
	v13 =	vsub.f32 $0.0e+00, v13;
	v16 =	vld [tilespmem:$0x330];
	(erf) = vpow2.f32 v3  }
0x97: {  	v3 =	vmul.f32 $1.442695020e+00, v12;
	v12 =	vsub.f32 $0.0e+00, v14;
	v14 =	vld [tilespmem:$0x340];
	(erf) = vpow2.f32 v9  }
0x98: {  	v0 =	vadd.f32 $1.000000000e+00, v0;
	v9 =	vmul.f32 $1.442695020e+00, v13;
	v13 =	vld [tilespmem:$0x350];
	(erf) = vpow2.f32 v6  }
0x99: {  	v2 =	vsub.f32 $0.0e+00, v2;
	v6 =	vmul.f32 $1.442695020e+00, v12;
	v12 =	vld [tilespmem:$0x360];
	(erf) = vrcp.f32 v4  }
0x9a: {  	v10 =	vmul.f32 $1.442695020e+00, v10;
	v4 =	vsub.f32 $0.0e+00, v15;
	v15 =	vld [tilespmem:$0x380];
	v17 =	vpop (erf);
	(erf) = vpow2.f32 v7  }
0x9b: {  	v2 =	vmul.f32 $1.442695020e+00, v2;
	v7 =	vadd.f32 $1.000000000e+00, v17;
	v17 =	vld [tilespmem:$0x390];
	v18 =	vpop (erf);
	(erf) = vpow2.f32 v8  }
0x9c: {  	v19 =	vadd.f32 $1.000000000e+00, v18;
	v8 =	vsub.f32 $0.0e+00, v14;
	v14 =	vld [tilespmem:$0x3A0];
	v18 =	vpop (erf);
	(erf) = vpow2.f32 v1  }
0x9d: {  	v27 =	vsub.f32 $0.0e+00, v16;
	v13 =	vsub.f32 $0.0e+00, v13;
	v20 =	vld [tilespmem:$0x3B0];
	(erf) = vrcp.f32 v7;
	v1 =	vpop (erf)  }
0x9e: {  	v7 =	vmul.f32 $1.442695020e+00, v4;
	v1 =	vadd.f32 $1.000000000e+00, v1;
	v21 =	vld [tilespmem:$0x3C0];
	v22 =	vpop (erf);
	(erf) = vrcp.f32 v0  }
0x9f: {  	v23 =	vmul.f32 $1.442695020e+00, v8;
	v4 =	vsub.f32 $0.0e+00, v15;
	v15 =	vld [tilespmem:$0x3D0];
	v24 =	vpop (erf);
	(erf) = vpow2.f32 v3  }
0xa0: {  	v25 =	vmul.f32 $1.442695020e+00, v27;
	v28 =	vsub.f32 $0.0e+00, v17;
	v26 =	vld [tilespmem:$0x3E0];
	v16 =	vpop (erf);
	(erf) = vpow2.f32 v2  }
0xa1: {  	v2 =	vsub.f32 $0.0e+00, v11;
	v17 =	vmul.f32 $1.442695020e+00, v4;
	v0 =	vpop (erf);
	(erf) = vpow2.f32 v9  }
0xa2: {  	v4 =	vadd.f32 $1.000000000e+00, v0;
	v27 =	vmul.f32 $1.442695020e+00, v28;
	(erf) = vpow2.f32 v6;
	v6 =	vpop (erf)  }
0xa3: {  	v29 =	vsub.f32 $0.0e+00, v12;
	v8 =	vmul.f32 $1.442695020e+00, v13;
	v3 =	vpop (erf);
	(erf) = vpow2.f32 v7  }
0xa4: {  	v9 =	vadd.f32 $1.000000000e+00, v24;
	v2 =	vmul.f32 $1.442695020e+00, v2;
	v13 =	vsub.f32 $0.0e+00, v21;
	v21 =	vpop (erf)  }
0xa5: {  	v28 =	vmul.f32 $1.442695020e+00, v29;
	v24 =	vadd.f32 $1.000000000e+00, v3;
	v0 =	vpop (erf);
	(erf) = vpow2.f32 v10  }
0xa6: {  	v7 =	vadd.f32 $1.000000000e+00, v16;
	v12 =	vadd.f32 $1.000000000e+00, v0;
	v11 =	vpop (erf);
	(erf) = vpow2.f32 v2  }
0xa7: {  	v3 =	vadd.f32 $1.000000000e+00, v22;
	v0 =	vadd.f32 $1.000000000e+00, v21;
	(erf) = vrcp.f32 v24;
	v10 =	vpop (erf)  }
0xa8: {  	v22 =	vadd.f32 $1.000000000e+00, v18;
	v15 =	vsub.f32 $0.0e+00, v15;
	v2 =	vpop (erf);
	(erf) = vpow2.f32 v23  }
0xa9: {  	v20 =	vsub.f32 $0.0e+00, v20;
	v21 =	vmul.f32 $1.442695020e+00, v13;
	v16 =	vpop (erf);
	(erf) = vpow2.f32 v17  }
0xaa: {  	v14 =	vsub.f32 $0.0e+00, v14;
	v13 =	vadd.f32 $1.000000000e+00, v2;
	v2 =	vpop (erf);
	(erf) = vpow2.f32 v25  }
0xab: {  	v17 =	vmul.f32 $1.442695020e+00, v20;
	v18 =	vadd.f32 $1.000000000e+00, v2;
	(erf) = vrcp.f32 v19;
	v2 =	vpop (erf)  }
0xac: {  	v14 =	vmul.f32 $1.442695020e+00, v14;
	v2 =	vadd.f32 $1.000000000e+00, v2;
	v19 =	vpop (erf);
	(erf) = vpow2.f32 v28  }
.Ltmp1:
0xad: {  	v23 =	vadd.f32 $1.000000000e+00, v19;
	v19 =	vmul.f32 $1.442695020e+00, v15;
	(erf) = vpow2.f32 v27;
	(pc) =	sbr.rel @p0 .LBB2_1-.Ltmp1, $4  }
0xae: {  	v25 =	vadd.f32 $1.000000000e+00, v5;
	v15 =	vsub.f32 $0.0e+00, v26;
	v20 =	vpop (erf);
	(erf) = vpow2.f32 v21  }
0xaf: {  	v24 =	vmul.f32 $3.000000120e-01, v10;
	v21 =	vadd.f32 $1.000000000e+00, v20;
	(erf) = vrcp.f32 v22;
	v20 =	vpop (erf)  }
0xb0: {  	v15 =	vmul.f32 $1.442695020e+00, v15;
	v10 =	vpop (erf);
	(erf) = vrcp.f32 v25  }
0xb1: {  	[tilespmem:$0x500] =	vst v24;
	(erf) = vrcp.f32 v23;
	v5 =	vpop (erf)  }
.LBB2_2:
0xb2: {  	(erf) = vrcp.f32 v18;
	v49 =	vpop (erf)  }
0xb3: {  	v16 =	vadd.f32 $1.000000000e+00, v16;
	v22 =	vpop (erf);
	(erf) = vpow2.f32 v17  }
0xb4: {  	v17 =	vpop (erf);
	(erf) = vrcp.f32 v21  }
0xb5: {  	v20 =	vadd.f32 $1.000000000e+00, v20;
	(erf) = vrcp.f32 v16;
	v50 =	vpop (erf)  }
0xb6: {  	v51 =	vpop (erf);
	(erf) = vpow2.f32 v19  }
0xb7: {  	(erf) = vrcp.f32 v20;
	v52 =	vpop (erf)  }
0xb8: {  	v53 =	vpop (erf);
	(erf) = vrcp.f32 v12  }
0xb9: {  	(erf) = vpow2.f32 v8;
	v54 =	vpop (erf)  }
0xba: {  	v55 =	vpop (erf);
	(erf) = vpow2.f32 v14  }
0xbb: {  	v11 =	vmul.f32 $3.000000120e-01, v11;
	(erf) = vrcp.f32 v9;
	v56 =	vpop (erf)  }
0xbc: {  	v6 =	vmul.f32 $3.000000120e-01, v6;
	(erf) = vrcp.f32 v13;
	v57 =	vpop (erf)  }
0xbd: {  	v35 =	vmul.f32 $3.000000120e-01, v10;
	[tilespmem:$0x430] =	vst v11;
	v62 =	vadd.f32 $1.000000000e+00, v50;
	(erf) = vrcp.f32 v4;
	v59 =	vpop (erf)  }
0xbe: {  	[tilespmem:$0x570] =	vst v6;
	v50 =	vmul.f32 $3.000000120e-01, v17;
	v60 =	vadd.f32 $1.000000000e+00, v57;
	v61 =	vpop (erf);
	(erf) = vpow2.f32 v15  }
0xbf: {  	[tilespmem:$0x4A0] =	vst v35;
	v58 =	vmul.f32 $3.000000120e-01, v53;
	(erf) = vrcp.f32 v7;
	v63 =	vpop (erf)  }
0xc0: {  	[tilespmem:$0x410] =	vst v50;
	v8 =	vmul.f32 $3.000000120e-01, v54;
	v16 =	vpop (erf);
	(erf) = vrcp.f32 v60  }
0xc1: {  	[tilespmem:$0x400] =	vst v58;
	v20 =	vmul.f32 $3.000000120e-01, v55;
	v23 =	vpop (erf);
	(erf) = vrcp.f32 v62  }
0xc2: {  	v24 =	vadd.f32 $1.000000000e+00, v52;
	v9 =	vmul.f32 $3.000000120e-01, v56;
	[tilespmem:$0x5F0] =	vst v8;
	(erf) = vrcp.f32 v3;
	v25 =	vpop (erf)  }
0xc3: {  	[tilespmem:$0x520] =	vst v20;
	v4 =	vmul.f32 $3.000000120e-01, v59;
	v3 =	vadd.f32 $1.000000000e+00, v25;
	(erf) = vrcp.f32 v1;
	v27 =	vpop (erf)  }
0xc4: {  	[tilespmem:$0x4E0] =	vst v9;
	v26 =	vmul.f32 $3.000000120e-01, v61;
	v1 =	vadd.f32 $1.000000000e+00, v27;
	v29 =	vpop (erf);
	(erf) = vrcp.f32 v24  }
0xc5: {  	[tilespmem:$0x4B0] =	vst v4;
	v6 =	vmul.f32 $3.000000120e-01, v16;
	v30 =	vpop (erf);
	(erf) = vrcp.f32 v3  }
0xc6: {  	v7 =	vadd.f32 $1.000000000e+00, v63;
	[tilespmem:$0x470] =	vst v26;
	v28 =	vmul.f32 $3.000000120e-01, v23;
	v32 =	vpop (erf);
	(erf) = vrcp.f32 v1  }
0xc7: {  	v33 =	vadd.f32 $1.000000000e+00, v49;
	[tilespmem:$0x510] =	vst v6;
	v8 =	vmul.f32 $3.000000120e-01, v29;
	v34 =	vpop (erf)  }
0xc8: {  	v36 =	vadd.f32 $1.000000000e+00, v22;
	[tilespmem:$0x480] =	vst v28;
	v31 =	vmul.f32 $3.000000120e-01, v30;
	(erf) = vrcp.f32 v7;
	v37 =	vpop (erf)  }
0xc9: {  	v38 =	vadd.f32 $1.000000000e+00, v51;
	[tilespmem:$0x450] =	vst v8;
	v4 =	vmul.f32 $3.000000120e-01, v32;
	(erf) = vrcp.f32 v33;
	v39 =	vpop (erf)  }
0xca: {  	v41 =	vadd.f32 $1.000000000e+00, v5;
	[tilespmem:$0x4D0] =	vst v31;
	(erf) = vrcp.f32 v36;
	v42 =	vmul.f32 $3.000000120e-01, v37;
	v40 =	vpop (erf)  }
0xcb: {  	[tilespmem:$0x490] =	vst v4;
	v1 =	vmul.f32 $3.000000120e-01, v39;
	(erf) = vrcp.f32 v38;
	v43 =	vpop (erf)  }
0xcc: {  	v3 =	vmul.f32 $3.000000120e-01, v40;
	(erf) = vrcp.f32 v41;
	[tilespmem:$0x460] =	vst v42;
	v44 =	vpop (erf)  }
0xcd: {  	v45 =	vadd.f32 $1.000000000e+00, v34;
	[tilespmem:$0x5B0] =	vst v1;
	v6 =	vmul.f32 $3.000000120e-01, v43;
	(erf) = vrcp.f32 v2;
	v46 =	vpop (erf)  }
0xce: {  	v1 =	vmul.f32 $3.000000120e-01, v44;
	[tilespmem:$0x560] =	vst v3;
	(erf) = vrcp.f32 v0;
	v47 =	vpop (erf)  }
0xcf: {  	v48 =	vmul.f32 $3.000000120e-01, v46;
	[tilespmem:$0x420] =	vst v6;
	v49 =	vpop (erf);
	(erf) = vrcp.f32 v45  }
0xd0: {  	[tilespmem:$0x440] =	vst v1;
	v2 =	vmul.f32 $3.000000120e-01, v47  }
0xd1: {  	v51 =	vpop (erf);
	[tilespmem:$0x5C0] =	vst v48;
	v53 =	vmul.f32 $3.000000120e-01, v49  }
0xd2: {  	v52 =	vmul.f32 $3.000000120e-01, v51;
	v54 =	vpop (erf);
	[tilespmem:$0x550] =	vst v2  }
0xd3: {  	v55 =	vpop (erf);
	v56 =	vmul.f32 $3.000000120e-01, v54;
	[tilespmem:$0x5A0] =	vst v53  }
0xd4: {  	[tilespmem:$0x5D0] =	vst v52;
	v57 =	vpop (erf);
	v59 =	vmul.f32 $3.000000120e-01, v55  }
0xd5: {  	v0 =	vmul.f32 $3.000000120e-01, v57;
	v58 =	vpop (erf);
	[tilespmem:$0x580] =	vst v56  }
0xd6: {  	v60 =	vpop (erf);
	v2 =	vmul.f32 $3.000000120e-01, v58;
	[tilespmem:$0x530] =	vst v59  }
0xd7: {  	[tilespmem:$0x590] =	vst v0;
	v61 =	vpop (erf);
	v1 =	vmul.f32 $3.000000120e-01, v60  }
0xd8: {  	v0 =	vmul.f32 $3.000000120e-01, v61;
	[tilespmem:$0x540] =	vst v2;
	v62 =	vpop (erf)  }
0xd9: {  	[tilespmem:$0x4F0] =	vst v1;
	v63 =	vmul.f32 $3.000000120e-01, v62  }
0xda: {  	[tilespmem:$0x4C0] =	vst v0  }
0xdb: {  	[tilespmem:$0x5E0] =	vst v63  }
0xdc: {  	_ =	swait.ge [sflag:s9], $0x200  }
0xdd: {  	[sflag:s9] =	ssyncset.done $0x0  }
0xde: {  	[sflag:s9] =	ssyncadd.s32 $0xFFFFFE00  }
0xdf: {  	[spmem:s2] =	stream.indirect.scatter [tilespmem:s11], [sflag:$0x1], $0x1, s3, s5, $0xb8;
	[tilespmem:$0xFC28] =	vst v63  }
0xe0: {  	_ =	swait.ge [sflag:s9], $0x200  }
0xe1: {  	[sflag:s9] =	ssyncset.done $0x0  }
0xe2: {  	[sflag:s9] =	ssyncadd.s32 $0xFFFFFE00  }
0xe3: {  	[bflag:$0x0] =	sbarrier.arrive $0xFFFF  }
0xe4: {  	[tilespmem:s10], [sflag:$0x1] =	stream.indirect.gather [spmem:s2], $0x1, s3, s5, $0xb8;
	[tilespmem:$0xFC28] =	vst v63  }
0xe5: {  	_ =	swait.ge [sflag:s9], $0x200  }
0xe6: {  	[sflag:s9] =	ssyncset.done $0x0  }
0xe7: {  	[sflag:s9] =	ssyncadd.s32 $0xFFFFFE00  }
0xe8: {  	[hbm4b:s8+s3] =	stream.linear.scatter [tilespmem:s10], [sflag:$0x2], $0x200, $0x38;
	[tilespmem:$0xFC28] =	vst v63  }
0xe9: {  	_ =	swait.ge [sflag:s4], $0x200  }
0xea: {  	[sflag:s4] =	ssyncset.done $0x0  }
0xeb: {  	[sflag:s4] =	ssyncadd.s32 $0xFFFFFE00  }
0xec: {  	_ =	sfence.sel $0x180000  }
0xed: {  	[bflag:$0x0] =	sbarrier.arrive $0xFFFF  }
0xee: {  	p0 =	sne.s32 s1, $0x0;
	_ =	strace $0x90000047  }
0xef: {  	s0 =	sadd.s32 @!p0 $0x100000, s0;
	[bflag:$0x2] =	sbarrier.arrive $0xFFFF  }
0xf0: {  	[sflag:s0] =	ssyncadd.tile.s32 @!p0 $0x1;
	_ =	shalt  }
.Lfunc_end2:
_tile_overlayer_lowered:
.L_overlay_start_2:
0xf1: {  	(tag) =	ssettag $0x2  }
0xf2: {  	s0 =	rddreg [dreg:$0x0];
	s2 =	stileid.u32  }
0xf3: {  	s1 =	rddreg [dreg:$0x1];
	p0 =	sne.s32 s2, $0x0  }
0xf4: {  	s3 =	rddreg [dreg:$0x2];
	[bflag:$0x3] =	sbarrier.arrive $0xFFFF;
	s2 =	simm.s32 @!p0 $0x1C03  }
0xf5: {  	[timem:s3], [sflag:s2] =	dma.local @!p0 [hbm:s0], s1  }
0xf6: {  	s0 =	simm.s32 @!p0 $0x3  }
0xf7: {  	_ =	swait.ge @!p0 [sflag:s0], s1  }
0xf8: {  	s1 =	ssub.s32 @!p0 $0x0, s1;
	[sflag:s0] =	ssyncset.done @!p0 $0x0  }
0xf9: {  	[sflag:s0] =	ssyncadd.s32 @!p0 s1  }
0xfa: {  	[bflag:$0x3] =	sbarrier.arrive $0xFFFF  }
0xfb: {  	_ =	shalt  }

</sc_bundles>
